<compile_context>
chip_gen: v7x
topology: tpu7x:2x2x1
jax: 0.10.2.dev20260603
libtpu: 0.0.44.dev20260713+nightly
codegen_flags: <defaults>
</compile_context>

<pallas_src>
import jax
import jax.numpy as jnp
from jax import lax
from jax.experimental import pallas as pl
from jax.experimental.pallas import tpu as pltpu
from jax.experimental.pallas import tpu_sc as plsc

_NUM_CORES = 2
_NUM_SUBCORES = 16
_NUM_WORKERS = _NUM_CORES * _NUM_SUBCORES
_CHUNK = 32


def _make_body(batch, seq, width, rows_per_worker, n_chunks):
    def body(pe_hbm, out_hbm, buf0, buf1, rsem0, rsem1, wsem0, wsem1):
        wid = lax.axis_index("s") * _NUM_CORES + lax.axis_index("c")
        base = wid * rows_per_worker
        bufs, rsems, wsems = (buf0, buf1), (rsem0, rsem1), (wsem0, wsem1)

        def start_read(j):
            return pltpu.async_copy(
                pe_hbm.at[pl.ds(base + j * _CHUNK, _CHUNK)], bufs[j % 2],
                rsems[j % 2])

        r_handles = [None, None]
        w_handles = [[], []]
        r_handles[0] = start_read(0)
        for j in range(n_chunks):
            p = j % 2
            r_handles[p].wait()
            w = [pltpu.async_copy(
                     bufs[p],
                     out_hbm.at[pl.ds(b * seq + base + j * _CHUNK, _CHUNK)],
                     wsems[p])
                 for b in range(batch)]
            if j + 1 < n_chunks:
                for h in w_handles[(j + 1) % 2]:
                    h.wait()
                r_handles[(j + 1) % 2] = start_read(j + 1)
            w_handles[p] = w
        for p in range(2):
            for h in w_handles[p]:
                h.wait()
    return body


def kernel(inputs, position_embeddings):
    batch, seq, width = inputs.shape
    pe = position_embeddings[:seq, :]
    rows_per_worker = seq // _NUM_WORKERS
    n_chunks = rows_per_worker // _CHUNK
    run = pl.kernel(
        _make_body(batch, seq, width, rows_per_worker, n_chunks),
        out_type=jax.ShapeDtypeStruct((batch * seq, width), jnp.float32),
        mesh=plsc.VectorSubcoreMesh(core_axis_name="c", subcore_axis_name="s"),
        scratch_types=[
            pltpu.VMEM((_CHUNK, width), jnp.float32),
            pltpu.VMEM((_CHUNK, width), jnp.float32),
            pltpu.SemaphoreType.DMA,
            pltpu.SemaphoreType.DMA,
            pltpu.SemaphoreType.DMA,
            pltpu.SemaphoreType.DMA,
        ],
    )
    out = run(pe)
    return out.reshape(batch, seq, width)

# --- scband reference (transcript-rebuilt; emitter-appended) ---
"""Pipeline reference for scband-position-embedding-16011638080015 (READ-ONLY COPY).

The authoritative reference and input builder live on the scoring server;
editing this copy changes nothing except your own understanding.
"""

import jax, jax.numpy as jnp
import numpy as np

MAX_LENGTH = 8192
WIDTH = 1024

def setup_inputs(seed: int = 0) -> dict:
    key = jax.random.key(seed)
    k1, k2 = jax.random.split(key)
    inputs = jax.random.normal(k1, (4, 8192, 1024), dtype=jnp.float32)
    position_embeddings = jax.random.normal(k2, (MAX_LENGTH, WIDTH), dtype=jnp.float32) * 0.02
    return {"inputs": inputs, "position_embeddings": position_embeddings}

def reference(inputs, position_embeddings):
    # seq_axis = 1
    input_shape = inputs.shape
    actual_seq_len = input_shape[1]
    pe = position_embeddings[:actual_seq_len, :]
    new_shape = [1] * len(input_shape)
    new_shape[1] = actual_seq_len
    new_shape[-1] = pe.shape[-1]
    pe = jnp.reshape(pe, new_shape)
    return jnp.broadcast_to(pe, input_shape)

if __name__ == "__main__":
    import jax
    _d = setup_inputs()
    print(jax.jit(kernel)(*tuple(_d.values())))

</pallas_src>

<mosaic_0001>
#map = affine_map<(d0, d1) -> (0, 0)>
module attributes {stable_mosaic.version = 14 : i64} {
  func.func @body(%arg0: i32, %arg1: i32, %arg2: memref<8192x1024xf32, #tpu.memory_space<hbm>>, %arg3: memref<32768x1024xf32, #tpu.memory_space<hbm>>, %arg4: memref<32x1024xf32, #tpu.memory_space<vmem>>, %arg5: memref<32x1024xf32, #tpu.memory_space<vmem>>, %arg6: memref<!tpu.dma_semaphore, #tpu.memory_space<semaphore_mem>>, %arg7: memref<!tpu.dma_semaphore, #tpu.memory_space<semaphore_mem>>, %arg8: memref<!tpu.dma_semaphore, #tpu.memory_space<semaphore_mem>>, %arg9: memref<!tpu.dma_semaphore, #tpu.memory_space<semaphore_mem>>) attributes {dimension_semantics = [#tpu.dimension_semantics<core_parallel>, #tpu.dimension_semantics<subcore_parallel>], iteration_bounds = array<i64: 2, 16>, scalar_prefetch = 0 : i64, scratch_operands = 6 : i64, tpu.core_type = #tpu.core_type<sc_vector_subcore>, window_params = [{transform_indices = #map}, {transform_indices = #map}]} {
    %mul3A = arith.constant 2 : i32
    %mul3A_0 = arith.muli %arg1, %mul3A : i32
    %add3A = arith.addi %mul3A_0, %arg0 : i32
    %mul3A_1 = arith.constant 256 : i32
    %mul3A_2 = arith.muli %add3A, %mul3A_1 : i32
    %add3A_3 = arith.constant 0 : i32
    %add3A_4 = arith.addi %mul3A_2, %add3A_3 : i32
    %dma_start3A = arith.constant 0 : i32
    %dma_start3A_5 = tpu.memref_slice %arg2[%add3A_4, %dma_start3A] : memref<8192x1024xf32, #tpu.memory_space<hbm>> -> memref<32x1024xf32, #tpu.memory_space<hbm>>
    %dma_start3A_6 = arith.constant 0 : i32
    %dma_start3A_7 = tpu.memref_slice %arg2[%add3A_4, %dma_start3A_6] : memref<8192x1024xf32, #tpu.memory_space<hbm>> -> memref<32x1024xf32, #tpu.memory_space<hbm>>
    tpu.enqueue_dma source(%dma_start3A_7 : memref<32x1024xf32, #tpu.memory_space<hbm>>) target(%arg4 : memref<32x1024xf32, #tpu.memory_space<vmem>>) target_semaphore(%arg6 : memref<!tpu.dma_semaphore, #tpu.memory_space<semaphore_mem>>)
    %dma_wait3A = arith.constant 0 : i32
    %dma_wait3A_8 = tpu.memref_slice %arg2[%add3A_4, %dma_wait3A] : memref<8192x1024xf32, #tpu.memory_space<hbm>> -> memref<32x1024xf32, #tpu.memory_space<hbm>>
    %dma_wait3A_9 = arith.constant 0 : i32
    %dma_wait3A_10 = tpu.memref_slice %arg2[%add3A_4, %dma_wait3A_9] : memref<8192x1024xf32, #tpu.memory_space<hbm>> -> memref<32x1024xf32, #tpu.memory_space<hbm>>
    tpu.wait_dma2 semaphore(%arg6 : memref<!tpu.dma_semaphore, #tpu.memory_space<semaphore_mem>>) src(%dma_wait3A_10 : memref<32x1024xf32, #tpu.memory_space<hbm>>) dst(%arg4 : memref<32x1024xf32, #tpu.memory_space<vmem>>)
    %add3A_11 = arith.constant 0 : i32
    %add3A_12 = arith.addi %add3A_11, %mul3A_2 : i32
    %add3A_13 = arith.constant 0 : i32
    %add3A_14 = arith.addi %add3A_12, %add3A_13 : i32
    %dma_start3A_15 = arith.constant 0 : i32
    %dma_start3A_16 = tpu.memref_slice %arg3[%add3A_14, %dma_start3A_15] : memref<32768x1024xf32, #tpu.memory_space<hbm>> -> memref<32x1024xf32, #tpu.memory_space<hbm>>
    %dma_start3A_17 = arith.constant 0 : i32
    %dma_start3A_18 = tpu.memref_slice %arg3[%add3A_14, %dma_start3A_17] : memref<32768x1024xf32, #tpu.memory_space<hbm>> -> memref<32x1024xf32, #tpu.memory_space<hbm>>
    tpu.enqueue_dma source(%arg4 : memref<32x1024xf32, #tpu.memory_space<vmem>>) target(%dma_start3A_18 : memref<32x1024xf32, #tpu.memory_space<hbm>>) target_semaphore(%arg8 : memref<!tpu.dma_semaphore, #tpu.memory_space<semaphore_mem>>)
    %add3A_19 = arith.constant 8192 : i32
    %add3A_20 = arith.addi %add3A_19, %mul3A_2 : i32
    %add3A_21 = arith.constant 0 : i32
    %add3A_22 = arith.addi %add3A_20, %add3A_21 : i32
    %dma_start3A_23 = arith.constant 0 : i32
    %dma_start3A_24 = tpu.memref_slice %arg3[%add3A_22, %dma_start3A_23] : memref<32768x1024xf32, #tpu.memory_space<hbm>> -> memref<32x1024xf32, #tpu.memory_space<hbm>>
    %dma_start3A_25 = arith.constant 0 : i32
    %dma_start3A_26 = tpu.memref_slice %arg3[%add3A_22, %dma_start3A_25] : memref<32768x1024xf32, #tpu.memory_space<hbm>> -> memref<32x1024xf32, #tpu.memory_space<hbm>>
    tpu.enqueue_dma source(%arg4 : memref<32x1024xf32, #tpu.memory_space<vmem>>) target(%dma_start3A_26 : memref<32x1024xf32, #tpu.memory_space<hbm>>) target_semaphore(%arg8 : memref<!tpu.dma_semaphore, #tpu.memory_space<semaphore_mem>>)
    %add3A_27 = arith.constant 16384 : i32
    %add3A_28 = arith.addi %add3A_27, %mul3A_2 : i32
    %add3A_29 = arith.constant 0 : i32
    %add3A_30 = arith.addi %add3A_28, %add3A_29 : i32
    %dma_start3A_31 = arith.constant 0 : i32
    %dma_start3A_32 = tpu.memref_slice %arg3[%add3A_30, %dma_start3A_31] : memref<32768x1024xf32, #tpu.memory_space<hbm>> -> memref<32x1024xf32, #tpu.memory_space<hbm>>
    %dma_start3A_33 = arith.constant 0 : i32
    %dma_start3A_34 = tpu.memref_slice %arg3[%add3A_30, %dma_start3A_33] : memref<32768x1024xf32, #tpu.memory_space<hbm>> -> memref<32x1024xf32, #tpu.memory_space<hbm>>
    tpu.enqueue_dma source(%arg4 : memref<32x1024xf32, #tpu.memory_space<vmem>>) target(%dma_start3A_34 : memref<32x1024xf32, #tpu.memory_space<hbm>>) target_semaphore(%arg8 : memref<!tpu.dma_semaphore, #tpu.memory_space<semaphore_mem>>)
    %add3A_35 = arith.constant 24576 : i32
    %add3A_36 = arith.addi %add3A_35, %mul3A_2 : i32
    %add3A_37 = arith.constant 0 : i32
    %add3A_38 = arith.addi %add3A_36, %add3A_37 : i32
    %dma_start3A_39 = arith.constant 0 : i32
    %dma_start3A_40 = tpu.memref_slice %arg3[%add3A_38, %dma_start3A_39] : memref<32768x1024xf32, #tpu.memory_space<hbm>> -> memref<32x1024xf32, #tpu.memory_space<hbm>>
    %dma_start3A_41 = arith.constant 0 : i32
    %dma_start3A_42 = tpu.memref_slice %arg3[%add3A_38, %dma_start3A_41] : memref<32768x1024xf32, #tpu.memory_space<hbm>> -> memref<32x1024xf32, #tpu.memory_space<hbm>>
    tpu.enqueue_dma source(%arg4 : memref<32x1024xf32, #tpu.memory_space<vmem>>) target(%dma_start3A_42 : memref<32x1024xf32, #tpu.memory_space<hbm>>) target_semaphore(%arg8 : memref<!tpu.dma_semaphore, #tpu.memory_space<semaphore_mem>>)
    %add3A_43 = arith.constant 32 : i32
    %add3A_44 = arith.addi %mul3A_2, %add3A_43 : i32
    %dma_start3A_45 = arith.constant 0 : i32
    %dma_start3A_46 = tpu.memref_slice %arg2[%add3A_44, %dma_start3A_45] : memref<8192x1024xf32, #tpu.memory_space<hbm>> -> memref<32x1024xf32, #tpu.memory_space<hbm>>
    %dma_start3A_47 = arith.constant 0 : i32
    %dma_start3A_48 = tpu.memref_slice %arg2[%add3A_44, %dma_start3A_47] : memref<8192x1024xf32, #tpu.memory_space<hbm>> -> memref<32x1024xf32, #tpu.memory_space<hbm>>
    tpu.enqueue_dma source(%dma_start3A_48 : memref<32x1024xf32, #tpu.memory_space<hbm>>) target(%arg5 : memref<32x1024xf32, #tpu.memory_space<vmem>>) target_semaphore(%arg7 : memref<!tpu.dma_semaphore, #tpu.memory_space<semaphore_mem>>)
    %dma_wait3A_49 = arith.constant 0 : i32
    %dma_wait3A_50 = tpu.memref_slice %arg2[%add3A_44, %dma_wait3A_49] : memref<8192x1024xf32, #tpu.memory_space<hbm>> -> memref<32x1024xf32, #tpu.memory_space<hbm>>
    %dma_wait3A_51 = arith.constant 0 : i32
    %dma_wait3A_52 = tpu.memref_slice %arg2[%add3A_44, %dma_wait3A_51] : memref<8192x1024xf32, #tpu.memory_space<hbm>> -> memref<32x1024xf32, #tpu.memory_space<hbm>>
    tpu.wait_dma2 semaphore(%arg7 : memref<!tpu.dma_semaphore, #tpu.memory_space<semaphore_mem>>) src(%dma_wait3A_52 : memref<32x1024xf32, #tpu.memory_space<hbm>>) dst(%arg5 : memref<32x1024xf32, #tpu.memory_space<vmem>>)
    %add3A_53 = arith.constant 0 : i32
    %add3A_54 = arith.addi %add3A_53, %mul3A_2 : i32
    %add3A_55 = arith.constant 32 : i32
    %add3A_56 = arith.addi %add3A_54, %add3A_55 : i32
    %dma_start3A_57 = arith.constant 0 : i32
    %dma_start3A_58 = tpu.memref_slice %arg3[%add3A_56, %dma_start3A_57] : memref<32768x1024xf32, #tpu.memory_space<hbm>> -> memref<32x1024xf32, #tpu.memory_space<hbm>>
    %dma_start3A_59 = arith.constant 0 : i32
    %dma_start3A_60 = tpu.memref_slice %arg3[%add3A_56, %dma_start3A_59] : memref<32768x1024xf32, #tpu.memory_space<hbm>> -> memref<32x1024xf32, #tpu.memory_space<hbm>>
    tpu.enqueue_dma source(%arg5 : memref<32x1024xf32, #tpu.memory_space<vmem>>) target(%dma_start3A_60 : memref<32x1024xf32, #tpu.memory_space<hbm>>) target_semaphore(%arg9 : memref<!tpu.dma_semaphore, #tpu.memory_space<semaphore_mem>>)
    %add3A_61 = arith.constant 8192 : i32
    %add3A_62 = arith.addi %add3A_61, %mul3A_2 : i32
    %add3A_63 = arith.constant 32 : i32
    %add3A_64 = arith.addi %add3A_62, %add3A_63 : i32
    %dma_start3A_65 = arith.constant 0 : i32
    %dma_start3A_66 = tpu.memref_slice %arg3[%add3A_64, %dma_start3A_65] : memref<32768x1024xf32, #tpu.memory_space<hbm>> -> memref<32x1024xf32, #tpu.memory_space<hbm>>
    %dma_start3A_67 = arith.constant 0 : i32
    %dma_start3A_68 = tpu.memref_slice %arg3[%add3A_64, %dma_start3A_67] : memref<32768x1024xf32, #tpu.memory_space<hbm>> -> memref<32x1024xf32, #tpu.memory_space<hbm>>
    tpu.enqueue_dma source(%arg5 : memref<32x1024xf32, #tpu.memory_space<vmem>>) target(%dma_start3A_68 : memref<32x1024xf32, #tpu.memory_space<hbm>>) target_semaphore(%arg9 : memref<!tpu.dma_semaphore, #tpu.memory_space<semaphore_mem>>)
    %add3A_69 = arith.constant 16384 : i32
    %add3A_70 = arith.addi %add3A_69, %mul3A_2 : i32
    %add3A_71 = arith.constant 32 : i32
    %add3A_72 = arith.addi %add3A_70, %add3A_71 : i32
    %dma_start3A_73 = arith.constant 0 : i32
    %dma_start3A_74 = tpu.memref_slice %arg3[%add3A_72, %dma_start3A_73] : memref<32768x1024xf32, #tpu.memory_space<hbm>> -> memref<32x1024xf32, #tpu.memory_space<hbm>>
    %dma_start3A_75 = arith.constant 0 : i32
    %dma_start3A_76 = tpu.memref_slice %arg3[%add3A_72, %dma_start3A_75] : memref<32768x1024xf32, #tpu.memory_space<hbm>> -> memref<32x1024xf32, #tpu.memory_space<hbm>>
    tpu.enqueue_dma source(%arg5 : memref<32x1024xf32, #tpu.memory_space<vmem>>) target(%dma_start3A_76 : memref<32x1024xf32, #tpu.memory_space<hbm>>) target_semaphore(%arg9 : memref<!tpu.dma_semaphore, #tpu.memory_space<semaphore_mem>>)
    %add3A_77 = arith.constant 24576 : i32
    %add3A_78 = arith.addi %add3A_77, %mul3A_2 : i32
    %add3A_79 = arith.constant 32 : i32
    %add3A_80 = arith.addi %add3A_78, %add3A_79 : i32
    %dma_start3A_81 = arith.constant 0 : i32
    %dma_start3A_82 = tpu.memref_slice %arg3[%add3A_80, %dma_start3A_81] : memref<32768x1024xf32, #tpu.memory_space<hbm>> -> memref<32x1024xf32, #tpu.memory_space<hbm>>
    %dma_start3A_83 = arith.constant 0 : i32
    %dma_start3A_84 = tpu.memref_slice %arg3[%add3A_80, %dma_start3A_83] : memref<32768x1024xf32, #tpu.memory_space<hbm>> -> memref<32x1024xf32, #tpu.memory_space<hbm>>
    tpu.enqueue_dma source(%arg5 : memref<32x1024xf32, #tpu.memory_space<vmem>>) target(%dma_start3A_84 : memref<32x1024xf32, #tpu.memory_space<hbm>>) target_semaphore(%arg9 : memref<!tpu.dma_semaphore, #tpu.memory_space<semaphore_mem>>)
    %dma_wait3A_85 = arith.constant 0 : i32
    %dma_wait3A_86 = tpu.memref_slice %arg3[%add3A_14, %dma_wait3A_85] : memref<32768x1024xf32, #tpu.memory_space<hbm>> -> memref<32x1024xf32, #tpu.memory_space<hbm>>
    %dma_wait3A_87 = arith.constant 0 : i32
    %dma_wait3A_88 = tpu.memref_slice %arg3[%add3A_14, %dma_wait3A_87] : memref<32768x1024xf32, #tpu.memory_space<hbm>> -> memref<32x1024xf32, #tpu.memory_space<hbm>>
    tpu.wait_dma2 semaphore(%arg8 : memref<!tpu.dma_semaphore, #tpu.memory_space<semaphore_mem>>) src(%arg4 : memref<32x1024xf32, #tpu.memory_space<vmem>>) dst(%dma_wait3A_88 : memref<32x1024xf32, #tpu.memory_space<hbm>>)
    %dma_wait3A_89 = arith.constant 0 : i32
    %dma_wait3A_90 = tpu.memref_slice %arg3[%add3A_22, %dma_wait3A_89] : memref<32768x1024xf32, #tpu.memory_space<hbm>> -> memref<32x1024xf32, #tpu.memory_space<hbm>>
    %dma_wait3A_91 = arith.constant 0 : i32
    %dma_wait3A_92 = tpu.memref_slice %arg3[%add3A_22, %dma_wait3A_91] : memref<32768x1024xf32, #tpu.memory_space<hbm>> -> memref<32x1024xf32, #tpu.memory_space<hbm>>
    tpu.wait_dma2 semaphore(%arg8 : memref<!tpu.dma_semaphore, #tpu.memory_space<semaphore_mem>>) src(%arg4 : memref<32x1024xf32, #tpu.memory_space<vmem>>) dst(%dma_wait3A_92 : memref<32x1024xf32, #tpu.memory_space<hbm>>)
    %dma_wait3A_93 = arith.constant 0 : i32
    %dma_wait3A_94 = tpu.memref_slice %arg3[%add3A_30, %dma_wait3A_93] : memref<32768x1024xf32, #tpu.memory_space<hbm>> -> memref<32x1024xf32, #tpu.memory_space<hbm>>
    %dma_wait3A_95 = arith.constant 0 : i32
    %dma_wait3A_96 = tpu.memref_slice %arg3[%add3A_30, %dma_wait3A_95] : memref<32768x1024xf32, #tpu.memory_space<hbm>> -> memref<32x1024xf32, #tpu.memory_space<hbm>>
    tpu.wait_dma2 semaphore(%arg8 : memref<!tpu.dma_semaphore, #tpu.memory_space<semaphore_mem>>) src(%arg4 : memref<32x1024xf32, #tpu.memory_space<vmem>>) dst(%dma_wait3A_96 : memref<32x1024xf32, #tpu.memory_space<hbm>>)
    %dma_wait3A_97 = arith.constant 0 : i32
    %dma_wait3A_98 = tpu.memref_slice %arg3[%add3A_38, %dma_wait3A_97] : memref<32768x1024xf32, #tpu.memory_space<hbm>> -> memref<32x1024xf32, #tpu.memory_space<hbm>>
    %dma_wait3A_99 = arith.constant 0 : i32
    %dma_wait3A_100 = tpu.memref_slice %arg3[%add3A_38, %dma_wait3A_99] : memref<32768x1024xf32, #tpu.memory_space<hbm>> -> memref<32x1024xf32, #tpu.memory_space<hbm>>
    tpu.wait_dma2 semaphore(%arg8 : memref<!tpu.dma_semaphore, #tpu.memory_space<semaphore_mem>>) src(%arg4 : memref<32x1024xf32, #tpu.memory_space<vmem>>) dst(%dma_wait3A_100 : memref<32x1024xf32, #tpu.memory_space<hbm>>)
    %add3A_101 = arith.constant 64 : i32
    %add3A_102 = arith.addi %mul3A_2, %add3A_101 : i32
    %dma_start3A_103 = arith.constant 0 : i32
    %dma_start3A_104 = tpu.memref_slice %arg2[%add3A_102, %dma_start3A_103] : memref<8192x1024xf32, #tpu.memory_space<hbm>> -> memref<32x1024xf32, #tpu.memory_space<hbm>>
    %dma_start3A_105 = arith.constant 0 : i32
    %dma_start3A_106 = tpu.memref_slice %arg2[%add3A_102, %dma_start3A_105] : memref<8192x1024xf32, #tpu.memory_space<hbm>> -> memref<32x1024xf32, #tpu.memory_space<hbm>>
    tpu.enqueue_dma source(%dma_start3A_106 : memref<32x1024xf32, #tpu.memory_space<hbm>>) target(%arg4 : memref<32x1024xf32, #tpu.memory_space<vmem>>) target_semaphore(%arg6 : memref<!tpu.dma_semaphore, #tpu.memory_space<semaphore_mem>>)
    %dma_wait3A_107 = arith.constant 0 : i32
    %dma_wait3A_108 = tpu.memref_slice %arg2[%add3A_102, %dma_wait3A_107] : memref<8192x1024xf32, #tpu.memory_space<hbm>> -> memref<32x1024xf32, #tpu.memory_space<hbm>>
    %dma_wait3A_109 = arith.constant 0 : i32
    %dma_wait3A_110 = tpu.memref_slice %arg2[%add3A_102, %dma_wait3A_109] : memref<8192x1024xf32, #tpu.memory_space<hbm>> -> memref<32x1024xf32, #tpu.memory_space<hbm>>
    tpu.wait_dma2 semaphore(%arg6 : memref<!tpu.dma_semaphore, #tpu.memory_space<semaphore_mem>>) src(%dma_wait3A_110 : memref<32x1024xf32, #tpu.memory_space<hbm>>) dst(%arg4 : memref<32x1024xf32, #tpu.memory_space<vmem>>)
    %add3A_111 = arith.constant 0 : i32
    %add3A_112 = arith.addi %add3A_111, %mul3A_2 : i32
    %add3A_113 = arith.constant 64 : i32
    %add3A_114 = arith.addi %add3A_112, %add3A_113 : i32
    %dma_start3A_115 = arith.constant 0 : i32
    %dma_start3A_116 = tpu.memref_slice %arg3[%add3A_114, %dma_start3A_115] : memref<32768x1024xf32, #tpu.memory_space<hbm>> -> memref<32x1024xf32, #tpu.memory_space<hbm>>
    %dma_start3A_117 = arith.constant 0 : i32
    %dma_start3A_118 = tpu.memref_slice %arg3[%add3A_114, %dma_start3A_117] : memref<32768x1024xf32, #tpu.memory_space<hbm>> -> memref<32x1024xf32, #tpu.memory_space<hbm>>
    tpu.enqueue_dma source(%arg4 : memref<32x1024xf32, #tpu.memory_space<vmem>>) target(%dma_start3A_118 : memref<32x1024xf32, #tpu.memory_space<hbm>>) target_semaphore(%arg8 : memref<!tpu.dma_semaphore, #tpu.memory_space<semaphore_mem>>)
    %add3A_119 = arith.constant 8192 : i32
    %add3A_120 = arith.addi %add3A_119, %mul3A_2 : i32
    %add3A_121 = arith.constant 64 : i32
    %add3A_122 = arith.addi %add3A_120, %add3A_121 : i32
    %dma_start3A_123 = arith.constant 0 : i32
    %dma_start3A_124 = tpu.memref_slice %arg3[%add3A_122, %dma_start3A_123] : memref<32768x1024xf32, #tpu.memory_space<hbm>> -> memref<32x1024xf32, #tpu.memory_space<hbm>>
    %dma_start3A_125 = arith.constant 0 : i32
    %dma_start3A_126 = tpu.memref_slice %arg3[%add3A_122, %dma_start3A_125] : memref<32768x1024xf32, #tpu.memory_space<hbm>> -> memref<32x1024xf32, #tpu.memory_space<hbm>>
    tpu.enqueue_dma source(%arg4 : memref<32x1024xf32, #tpu.memory_space<vmem>>) target(%dma_start3A_126 : memref<32x1024xf32, #tpu.memory_space<hbm>>) target_semaphore(%arg8 : memref<!tpu.dma_semaphore, #tpu.memory_space<semaphore_mem>>)
    %add3A_127 = arith.constant 16384 : i32
    %add3A_128 = arith.addi %add3A_127, %mul3A_2 : i32
    %add3A_129 = arith.constant 64 : i32
    %add3A_130 = arith.addi %add3A_128, %add3A_129 : i32
    %dma_start3A_131 = arith.constant 0 : i32
    %dma_start3A_132 = tpu.memref_slice %arg3[%add3A_130, %dma_start3A_131] : memref<32768x1024xf32, #tpu.memory_space<hbm>> -> memref<32x1024xf32, #tpu.memory_space<hbm>>
    %dma_start3A_133 = arith.constant 0 : i32
    %dma_start3A_134 = tpu.memref_slice %arg3[%add3A_130, %dma_start3A_133] : memref<32768x1024xf32, #tpu.memory_space<hbm>> -> memref<32x1024xf32, #tpu.memory_space<hbm>>
    tpu.enqueue_dma source(%arg4 : memref<32x1024xf32, #tpu.memory_space<vmem>>) target(%dma_start3A_134 : memref<32x1024xf32, #tpu.memory_space<hbm>>) target_semaphore(%arg8 : memref<!tpu.dma_semaphore, #tpu.memory_space<semaphore_mem>>)
    %add3A_135 = arith.constant 24576 : i32
    %add3A_136 = arith.addi %add3A_135, %mul3A_2 : i32
    %add3A_137 = arith.constant 64 : i32
    %add3A_138 = arith.addi %add3A_136, %add3A_137 : i32
    %dma_start3A_139 = arith.constant 0 : i32
    %dma_start3A_140 = tpu.memref_slice %arg3[%add3A_138, %dma_start3A_139] : memref<32768x1024xf32, #tpu.memory_space<hbm>> -> memref<32x1024xf32, #tpu.memory_space<hbm>>
    %dma_start3A_141 = arith.constant 0 : i32
    %dma_start3A_142 = tpu.memref_slice %arg3[%add3A_138, %dma_start3A_141] : memref<32768x1024xf32, #tpu.memory_space<hbm>> -> memref<32x1024xf32, #tpu.memory_space<hbm>>
    tpu.enqueue_dma source(%arg4 : memref<32x1024xf32, #tpu.memory_space<vmem>>) target(%dma_start3A_142 : memref<32x1024xf32, #tpu.memory_space<hbm>>) target_semaphore(%arg8 : memref<!tpu.dma_semaphore, #tpu.memory_space<semaphore_mem>>)
    %dma_wait3A_143 = arith.constant 0 : i32
    %dma_wait3A_144 = tpu.memref_slice %arg3[%add3A_56, %dma_wait3A_143] : memref<32768x1024xf32, #tpu.memory_space<hbm>> -> memref<32x1024xf32, #tpu.memory_space<hbm>>
    %dma_wait3A_145 = arith.constant 0 : i32
    %dma_wait3A_146 = tpu.memref_slice %arg3[%add3A_56, %dma_wait3A_145] : memref<32768x1024xf32, #tpu.memory_space<hbm>> -> memref<32x1024xf32, #tpu.memory_space<hbm>>
    tpu.wait_dma2 semaphore(%arg9 : memref<!tpu.dma_semaphore, #tpu.memory_space<semaphore_mem>>) src(%arg5 : memref<32x1024xf32, #tpu.memory_space<vmem>>) dst(%dma_wait3A_146 : memref<32x1024xf32, #tpu.memory_space<hbm>>)
    %dma_wait3A_147 = arith.constant 0 : i32
    %dma_wait3A_148 = tpu.memref_slice %arg3[%add3A_64, %dma_wait3A_147] : memref<32768x1024xf32, #tpu.memory_space<hbm>> -> memref<32x1024xf32, #tpu.memory_space<hbm>>
    %dma_wait3A_149 = arith.constant 0 : i32
    %dma_wait3A_150 = tpu.memref_slice %arg3[%add3A_64, %dma_wait3A_149] : memref<32768x1024xf32, #tpu.memory_space<hbm>> -> memref<32x1024xf32, #tpu.memory_space<hbm>>
    tpu.wait_dma2 semaphore(%arg9 : memref<!tpu.dma_semaphore, #tpu.memory_space<semaphore_mem>>) src(%arg5 : memref<32x1024xf32, #tpu.memory_space<vmem>>) dst(%dma_wait3A_150 : memref<32x1024xf32, #tpu.memory_space<hbm>>)
    %dma_wait3A_151 = arith.constant 0 : i32
    %dma_wait3A_152 = tpu.memref_slice %arg3[%add3A_72, %dma_wait3A_151] : memref<32768x1024xf32, #tpu.memory_space<hbm>> -> memref<32x1024xf32, #tpu.memory_space<hbm>>
    %dma_wait3A_153 = arith.constant 0 : i32
    %dma_wait3A_154 = tpu.memref_slice %arg3[%add3A_72, %dma_wait3A_153] : memref<32768x1024xf32, #tpu.memory_space<hbm>> -> memref<32x1024xf32, #tpu.memory_space<hbm>>
    tpu.wait_dma2 semaphore(%arg9 : memref<!tpu.dma_semaphore, #tpu.memory_space<semaphore_mem>>) src(%arg5 : memref<32x1024xf32, #tpu.memory_space<vmem>>) dst(%dma_wait3A_154 : memref<32x1024xf32, #tpu.memory_space<hbm>>)
    %dma_wait3A_155 = arith.constant 0 : i32
    %dma_wait3A_156 = tpu.memref_slice %arg3[%add3A_80, %dma_wait3A_155] : memref<32768x1024xf32, #tpu.memory_space<hbm>> -> memref<32x1024xf32, #tpu.memory_space<hbm>>
    %dma_wait3A_157 = arith.constant 0 : i32
    %dma_wait3A_158 = tpu.memref_slice %arg3[%add3A_80, %dma_wait3A_157] : memref<32768x1024xf32, #tpu.memory_space<hbm>> -> memref<32x1024xf32, #tpu.memory_space<hbm>>
    tpu.wait_dma2 semaphore(%arg9 : memref<!tpu.dma_semaphore, #tpu.memory_space<semaphore_mem>>) src(%arg5 : memref<32x1024xf32, #tpu.memory_space<vmem>>) dst(%dma_wait3A_158 : memref<32x1024xf32, #tpu.memory_space<hbm>>)
    %add3A_159 = arith.constant 96 : i32
    %add3A_160 = arith.addi %mul3A_2, %add3A_159 : i32
    %dma_start3A_161 = arith.constant 0 : i32
    %dma_start3A_162 = tpu.memref_slice %arg2[%add3A_160, %dma_start3A_161] : memref<8192x1024xf32, #tpu.memory_space<hbm>> -> memref<32x1024xf32, #tpu.memory_space<hbm>>
    %dma_start3A_163 = arith.constant 0 : i32
    %dma_start3A_164 = tpu.memref_slice %arg2[%add3A_160, %dma_start3A_163] : memref<8192x1024xf32, #tpu.memory_space<hbm>> -> memref<32x1024xf32, #tpu.memory_space<hbm>>
    tpu.enqueue_dma source(%dma_start3A_164 : memref<32x1024xf32, #tpu.memory_space<hbm>>) target(%arg5 : memref<32x1024xf32, #tpu.memory_space<vmem>>) target_semaphore(%arg7 : memref<!tpu.dma_semaphore, #tpu.memory_space<semaphore_mem>>)
    %dma_wait3A_165 = arith.constant 0 : i32
    %dma_wait3A_166 = tpu.memref_slice %arg2[%add3A_160, %dma_wait3A_165] : memref<8192x1024xf32, #tpu.memory_space<hbm>> -> memref<32x1024xf32, #tpu.memory_space<hbm>>
    %dma_wait3A_167 = arith.constant 0 : i32
    %dma_wait3A_168 = tpu.memref_slice %arg2[%add3A_160, %dma_wait3A_167] : memref<8192x1024xf32, #tpu.memory_space<hbm>> -> memref<32x1024xf32, #tpu.memory_space<hbm>>
    tpu.wait_dma2 semaphore(%arg7 : memref<!tpu.dma_semaphore, #tpu.memory_space<semaphore_mem>>) src(%dma_wait3A_168 : memref<32x1024xf32, #tpu.memory_space<hbm>>) dst(%arg5 : memref<32x1024xf32, #tpu.memory_space<vmem>>)
    %add3A_169 = arith.constant 0 : i32
    %add3A_170 = arith.addi %add3A_169, %mul3A_2 : i32
    %add3A_171 = arith.constant 96 : i32
    %add3A_172 = arith.addi %add3A_170, %add3A_171 : i32
    %dma_start3A_173 = arith.constant 0 : i32
    %dma_start3A_174 = tpu.memref_slice %arg3[%add3A_172, %dma_start3A_173] : memref<32768x1024xf32, #tpu.memory_space<hbm>> -> memref<32x1024xf32, #tpu.memory_space<hbm>>
    %dma_start3A_175 = arith.constant 0 : i32
    %dma_start3A_176 = tpu.memref_slice %arg3[%add3A_172, %dma_start3A_175] : memref<32768x1024xf32, #tpu.memory_space<hbm>> -> memref<32x1024xf32, #tpu.memory_space<hbm>>
    tpu.enqueue_dma source(%arg5 : memref<32x1024xf32, #tpu.memory_space<vmem>>) target(%dma_start3A_176 : memref<32x1024xf32, #tpu.memory_space<hbm>>) target_semaphore(%arg9 : memref<!tpu.dma_semaphore, #tpu.memory_space<semaphore_mem>>)
    %add3A_177 = arith.constant 8192 : i32
    %add3A_178 = arith.addi %add3A_177, %mul3A_2 : i32
    %add3A_179 = arith.constant 96 : i32
    %add3A_180 = arith.addi %add3A_178, %add3A_179 : i32
    %dma_start3A_181 = arith.constant 0 : i32
    %dma_start3A_182 = tpu.memref_slice %arg3[%add3A_180, %dma_start3A_181] : memref<32768x1024xf32, #tpu.memory_space<hbm>> -> memref<32x1024xf32, #tpu.memory_space<hbm>>
    %dma_start3A_183 = arith.constant 0 : i32
    %dma_start3A_184 = tpu.memref_slice %arg3[%add3A_180, %dma_start3A_183] : memref<32768x1024xf32, #tpu.memory_space<hbm>> -> memref<32x1024xf32, #tpu.memory_space<hbm>>
    tpu.enqueue_dma source(%arg5 : memref<32x1024xf32, #tpu.memory_space<vmem>>) target(%dma_start3A_184 : memref<32x1024xf32, #tpu.memory_space<hbm>>) target_semaphore(%arg9 : memref<!tpu.dma_semaphore, #tpu.memory_space<semaphore_mem>>)
    %add3A_185 = arith.constant 16384 : i32
    %add3A_186 = arith.addi %add3A_185, %mul3A_2 : i32
    %add3A_187 = arith.constant 96 : i32
    %add3A_188 = arith.addi %add3A_186, %add3A_187 : i32
    %dma_start3A_189 = arith.constant 0 : i32
    %dma_start3A_190 = tpu.memref_slice %arg3[%add3A_188, %dma_start3A_189] : memref<32768x1024xf32, #tpu.memory_space<hbm>> -> memref<32x1024xf32, #tpu.memory_space<hbm>>
    %dma_start3A_191 = arith.constant 0 : i32
    %dma_start3A_192 = tpu.memref_slice %arg3[%add3A_188, %dma_start3A_191] : memref<32768x1024xf32, #tpu.memory_space<hbm>> -> memref<32x1024xf32, #tpu.memory_space<hbm>>
    tpu.enqueue_dma source(%arg5 : memref<32x1024xf32, #tpu.memory_space<vmem>>) target(%dma_start3A_192 : memref<32x1024xf32, #tpu.memory_space<hbm>>) target_semaphore(%arg9 : memref<!tpu.dma_semaphore, #tpu.memory_space<semaphore_mem>>)
    %add3A_193 = arith.constant 24576 : i32
    %add3A_194 = arith.addi %add3A_193, %mul3A_2 : i32
    %add3A_195 = arith.constant 96 : i32
    %add3A_196 = arith.addi %add3A_194, %add3A_195 : i32
    %dma_start3A_197 = arith.constant 0 : i32
    %dma_start3A_198 = tpu.memref_slice %arg3[%add3A_196, %dma_start3A_197] : memref<32768x1024xf32, #tpu.memory_space<hbm>> -> memref<32x1024xf32, #tpu.memory_space<hbm>>
    %dma_start3A_199 = arith.constant 0 : i32
    %dma_start3A_200 = tpu.memref_slice %arg3[%add3A_196, %dma_start3A_199] : memref<32768x1024xf32, #tpu.memory_space<hbm>> -> memref<32x1024xf32, #tpu.memory_space<hbm>>
    tpu.enqueue_dma source(%arg5 : memref<32x1024xf32, #tpu.memory_space<vmem>>) target(%dma_start3A_200 : memref<32x1024xf32, #tpu.memory_space<hbm>>) target_semaphore(%arg9 : memref<!tpu.dma_semaphore, #tpu.memory_space<semaphore_mem>>)
    %dma_wait3A_201 = arith.constant 0 : i32
    %dma_wait3A_202 = tpu.memref_slice %arg3[%add3A_114, %dma_wait3A_201] : memref<32768x1024xf32, #tpu.memory_space<hbm>> -> memref<32x1024xf32, #tpu.memory_space<hbm>>
    %dma_wait3A_203 = arith.constant 0 : i32
    %dma_wait3A_204 = tpu.memref_slice %arg3[%add3A_114, %dma_wait3A_203] : memref<32768x1024xf32, #tpu.memory_space<hbm>> -> memref<32x1024xf32, #tpu.memory_space<hbm>>
    tpu.wait_dma2 semaphore(%arg8 : memref<!tpu.dma_semaphore, #tpu.memory_space<semaphore_mem>>) src(%arg4 : memref<32x1024xf32, #tpu.memory_space<vmem>>) dst(%dma_wait3A_204 : memref<32x1024xf32, #tpu.memory_space<hbm>>)
    %dma_wait3A_205 = arith.constant 0 : i32
    %dma_wait3A_206 = tpu.memref_slice %arg3[%add3A_122, %dma_wait3A_205] : memref<32768x1024xf32, #tpu.memory_space<hbm>> -> memref<32x1024xf32, #tpu.memory_space<hbm>>
    %dma_wait3A_207 = arith.constant 0 : i32
    %dma_wait3A_208 = tpu.memref_slice %arg3[%add3A_122, %dma_wait3A_207] : memref<32768x1024xf32, #tpu.memory_space<hbm>> -> memref<32x1024xf32, #tpu.memory_space<hbm>>
    tpu.wait_dma2 semaphore(%arg8 : memref<!tpu.dma_semaphore, #tpu.memory_space<semaphore_mem>>) src(%arg4 : memref<32x1024xf32, #tpu.memory_space<vmem>>) dst(%dma_wait3A_208 : memref<32x1024xf32, #tpu.memory_space<hbm>>)
    %dma_wait3A_209 = arith.constant 0 : i32
    %dma_wait3A_210 = tpu.memref_slice %arg3[%add3A_130, %dma_wait3A_209] : memref<32768x1024xf32, #tpu.memory_space<hbm>> -> memref<32x1024xf32, #tpu.memory_space<hbm>>
    %dma_wait3A_211 = arith.constant 0 : i32
    %dma_wait3A_212 = tpu.memref_slice %arg3[%add3A_130, %dma_wait3A_211] : memref<32768x1024xf32, #tpu.memory_space<hbm>> -> memref<32x1024xf32, #tpu.memory_space<hbm>>
    tpu.wait_dma2 semaphore(%arg8 : memref<!tpu.dma_semaphore, #tpu.memory_space<semaphore_mem>>) src(%arg4 : memref<32x1024xf32, #tpu.memory_space<vmem>>) dst(%dma_wait3A_212 : memref<32x1024xf32, #tpu.memory_space<hbm>>)
    %dma_wait3A_213 = arith.constant 0 : i32
    %dma_wait3A_214 = tpu.memref_slice %arg3[%add3A_138, %dma_wait3A_213] : memref<32768x1024xf32, #tpu.memory_space<hbm>> -> memref<32x1024xf32, #tpu.memory_space<hbm>>
    %dma_wait3A_215 = arith.constant 0 : i32
    %dma_wait3A_216 = tpu.memref_slice %arg3[%add3A_138, %dma_wait3A_215] : memref<32768x1024xf32, #tpu.memory_space<hbm>> -> memref<32x1024xf32, #tpu.memory_space<hbm>>
    tpu.wait_dma2 semaphore(%arg8 : memref<!tpu.dma_semaphore, #tpu.memory_space<semaphore_mem>>) src(%arg4 : memref<32x1024xf32, #tpu.memory_space<vmem>>) dst(%dma_wait3A_216 : memref<32x1024xf32, #tpu.memory_space<hbm>>)
    %add3A_217 = arith.constant 128 : i32
    %add3A_218 = arith.addi %mul3A_2, %add3A_217 : i32
    %dma_start3A_219 = arith.constant 0 : i32
    %dma_start3A_220 = tpu.memref_slice %arg2[%add3A_218, %dma_start3A_219] : memref<8192x1024xf32, #tpu.memory_space<hbm>> -> memref<32x1024xf32, #tpu.memory_space<hbm>>
    %dma_start3A_221 = arith.constant 0 : i32
    %dma_start3A_222 = tpu.memref_slice %arg2[%add3A_218, %dma_start3A_221] : memref<8192x1024xf32, #tpu.memory_space<hbm>> -> memref<32x1024xf32, #tpu.memory_space<hbm>>
    tpu.enqueue_dma source(%dma_start3A_222 : memref<32x1024xf32, #tpu.memory_space<hbm>>) target(%arg4 : memref<32x1024xf32, #tpu.memory_space<vmem>>) target_semaphore(%arg6 : memref<!tpu.dma_semaphore, #tpu.memory_space<semaphore_mem>>)
    %dma_wait3A_223 = arith.constant 0 : i32
    %dma_wait3A_224 = tpu.memref_slice %arg2[%add3A_218, %dma_wait3A_223] : memref<8192x1024xf32, #tpu.memory_space<hbm>> -> memref<32x1024xf32, #tpu.memory_space<hbm>>
    %dma_wait3A_225 = arith.constant 0 : i32
    %dma_wait3A_226 = tpu.memref_slice %arg2[%add3A_218, %dma_wait3A_225] : memref<8192x1024xf32, #tpu.memory_space<hbm>> -> memref<32x1024xf32, #tpu.memory_space<hbm>>
    tpu.wait_dma2 semaphore(%arg6 : memref<!tpu.dma_semaphore, #tpu.memory_space<semaphore_mem>>) src(%dma_wait3A_226 : memref<32x1024xf32, #tpu.memory_space<hbm>>) dst(%arg4 : memref<32x1024xf32, #tpu.memory_space<vmem>>)
    %add3A_227 = arith.constant 0 : i32
    %add3A_228 = arith.addi %add3A_227, %mul3A_2 : i32
    %add3A_229 = arith.constant 128 : i32
    %add3A_230 = arith.addi %add3A_228, %add3A_229 : i32
    %dma_start3A_231 = arith.constant 0 : i32
    %dma_start3A_232 = tpu.memref_slice %arg3[%add3A_230, %dma_start3A_231] : memref<32768x1024xf32, #tpu.memory_space<hbm>> -> memref<32x1024xf32, #tpu.memory_space<hbm>>
    %dma_start3A_233 = arith.constant 0 : i32
    %dma_start3A_234 = tpu.memref_slice %arg3[%add3A_230, %dma_start3A_233] : memref<32768x1024xf32, #tpu.memory_space<hbm>> -> memref<32x1024xf32, #tpu.memory_space<hbm>>
    tpu.enqueue_dma source(%arg4 : memref<32x1024xf32, #tpu.memory_space<vmem>>) target(%dma_start3A_234 : memref<32x1024xf32, #tpu.memory_space<hbm>>) target_semaphore(%arg8 : memref<!tpu.dma_semaphore, #tpu.memory_space<semaphore_mem>>)
    %add3A_235 = arith.constant 8192 : i32
    %add3A_236 = arith.addi %add3A_235, %mul3A_2 : i32
    %add3A_237 = arith.constant 128 : i32
    %add3A_238 = arith.addi %add3A_236, %add3A_237 : i32
    %dma_start3A_239 = arith.constant 0 : i32
    %dma_start3A_240 = tpu.memref_slice %arg3[%add3A_238, %dma_start3A_239] : memref<32768x1024xf32, #tpu.memory_space<hbm>> -> memref<32x1024xf32, #tpu.memory_space<hbm>>
    %dma_start3A_241 = arith.constant 0 : i32
    %dma_start3A_242 = tpu.memref_slice %arg3[%add3A_238, %dma_start3A_241] : memref<32768x1024xf32, #tpu.memory_space<hbm>> -> memref<32x1024xf32, #tpu.memory_space<hbm>>
    tpu.enqueue_dma source(%arg4 : memref<32x1024xf32, #tpu.memory_space<vmem>>) target(%dma_start3A_242 : memref<32x1024xf32, #tpu.memory_space<hbm>>) target_semaphore(%arg8 : memref<!tpu.dma_semaphore, #tpu.memory_space<semaphore_mem>>)
    %add3A_243 = arith.constant 16384 : i32
    %add3A_244 = arith.addi %add3A_243, %mul3A_2 : i32
    %add3A_245 = arith.constant 128 : i32
    %add3A_246 = arith.addi %add3A_244, %add3A_245 : i32
    %dma_start3A_247 = arith.constant 0 : i32
    %dma_start3A_248 = tpu.memref_slice %arg3[%add3A_246, %dma_start3A_247] : memref<32768x1024xf32, #tpu.memory_space<hbm>> -> memref<32x1024xf32, #tpu.memory_space<hbm>>
    %dma_start3A_249 = arith.constant 0 : i32
    %dma_start3A_250 = tpu.memref_slice %arg3[%add3A_246, %dma_start3A_249] : memref<32768x1024xf32, #tpu.memory_space<hbm>> -> memref<32x1024xf32, #tpu.memory_space<hbm>>
    tpu.enqueue_dma source(%arg4 : memref<32x1024xf32, #tpu.memory_space<vmem>>) target(%dma_start3A_250 : memref<32x1024xf32, #tpu.memory_space<hbm>>) target_semaphore(%arg8 : memref<!tpu.dma_semaphore, #tpu.memory_space<semaphore_mem>>)
    %add3A_251 = arith.constant 24576 : i32
    %add3A_252 = arith.addi %add3A_251, %mul3A_2 : i32
    %add3A_253 = arith.constant 128 : i32
    %add3A_254 = arith.addi %add3A_252, %add3A_253 : i32
    %dma_start3A_255 = arith.constant 0 : i32
    %dma_start3A_256 = tpu.memref_slice %arg3[%add3A_254, %dma_start3A_255] : memref<32768x1024xf32, #tpu.memory_space<hbm>> -> memref<32x1024xf32, #tpu.memory_space<hbm>>
    %dma_start3A_257 = arith.constant 0 : i32
    %dma_start3A_258 = tpu.memref_slice %arg3[%add3A_254, %dma_start3A_257] : memref<32768x1024xf32, #tpu.memory_space<hbm>> -> memref<32x1024xf32, #tpu.memory_space<hbm>>
    tpu.enqueue_dma source(%arg4 : memref<32x1024xf32, #tpu.memory_space<vmem>>) target(%dma_start3A_258 : memref<32x1024xf32, #tpu.memory_space<hbm>>) target_semaphore(%arg8 : memref<!tpu.dma_semaphore, #tpu.memory_space<semaphore_mem>>)
    %dma_wait3A_259 = arith.constant 0 : i32
    %dma_wait3A_260 = tpu.memref_slice %arg3[%add3A_172, %dma_wait3A_259] : memref<32768x1024xf32, #tpu.memory_space<hbm>> -> memref<32x1024xf32, #tpu.memory_space<hbm>>
    %dma_wait3A_261 = arith.constant 0 : i32
    %dma_wait3A_262 = tpu.memref_slice %arg3[%add3A_172, %dma_wait3A_261] : memref<32768x1024xf32, #tpu.memory_space<hbm>> -> memref<32x1024xf32, #tpu.memory_space<hbm>>
    tpu.wait_dma2 semaphore(%arg9 : memref<!tpu.dma_semaphore, #tpu.memory_space<semaphore_mem>>) src(%arg5 : memref<32x1024xf32, #tpu.memory_space<vmem>>) dst(%dma_wait3A_262 : memref<32x1024xf32, #tpu.memory_space<hbm>>)
    %dma_wait3A_263 = arith.constant 0 : i32
    %dma_wait3A_264 = tpu.memref_slice %arg3[%add3A_180, %dma_wait3A_263] : memref<32768x1024xf32, #tpu.memory_space<hbm>> -> memref<32x1024xf32, #tpu.memory_space<hbm>>
    %dma_wait3A_265 = arith.constant 0 : i32
    %dma_wait3A_266 = tpu.memref_slice %arg3[%add3A_180, %dma_wait3A_265] : memref<32768x1024xf32, #tpu.memory_space<hbm>> -> memref<32x1024xf32, #tpu.memory_space<hbm>>
    tpu.wait_dma2 semaphore(%arg9 : memref<!tpu.dma_semaphore, #tpu.memory_space<semaphore_mem>>) src(%arg5 : memref<32x1024xf32, #tpu.memory_space<vmem>>) dst(%dma_wait3A_266 : memref<32x1024xf32, #tpu.memory_space<hbm>>)
    %dma_wait3A_267 = arith.constant 0 : i32
    %dma_wait3A_268 = tpu.memref_slice %arg3[%add3A_188, %dma_wait3A_267] : memref<32768x1024xf32, #tpu.memory_space<hbm>> -> memref<32x1024xf32, #tpu.memory_space<hbm>>
    %dma_wait3A_269 = arith.constant 0 : i32
    %dma_wait3A_270 = tpu.memref_slice %arg3[%add3A_188, %dma_wait3A_269] : memref<32768x1024xf32, #tpu.memory_space<hbm>> -> memref<32x1024xf32, #tpu.memory_space<hbm>>
    tpu.wait_dma2 semaphore(%arg9 : memref<!tpu.dma_semaphore, #tpu.memory_space<semaphore_mem>>) src(%arg5 : memref<32x1024xf32, #tpu.memory_space<vmem>>) dst(%dma_wait3A_270 : memref<32x1024xf32, #tpu.memory_space<hbm>>)
    %dma_wait3A_271 = arith.constant 0 : i32
    %dma_wait3A_272 = tpu.memref_slice %arg3[%add3A_196, %dma_wait3A_271] : memref<32768x1024xf32, #tpu.memory_space<hbm>> -> memref<32x1024xf32, #tpu.memory_space<hbm>>
    %dma_wait3A_273 = arith.constant 0 : i32
    %dma_wait3A_274 = tpu.memref_slice %arg3[%add3A_196, %dma_wait3A_273] : memref<32768x1024xf32, #tpu.memory_space<hbm>> -> memref<32x1024xf32, #tpu.memory_space<hbm>>
    tpu.wait_dma2 semaphore(%arg9 : memref<!tpu.dma_semaphore, #tpu.memory_space<semaphore_mem>>) src(%arg5 : memref<32x1024xf32, #tpu.memory_space<vmem>>) dst(%dma_wait3A_274 : memref<32x1024xf32, #tpu.memory_space<hbm>>)
    %add3A_275 = arith.constant 160 : i32
    %add3A_276 = arith.addi %mul3A_2, %add3A_275 : i32
    %dma_start3A_277 = arith.constant 0 : i32
    %dma_start3A_278 = tpu.memref_slice %arg2[%add3A_276, %dma_start3A_277] : memref<8192x1024xf32, #tpu.memory_space<hbm>> -> memref<32x1024xf32, #tpu.memory_space<hbm>>
    %dma_start3A_279 = arith.constant 0 : i32
    %dma_start3A_280 = tpu.memref_slice %arg2[%add3A_276, %dma_start3A_279] : memref<8192x1024xf32, #tpu.memory_space<hbm>> -> memref<32x1024xf32, #tpu.memory_space<hbm>>
    tpu.enqueue_dma source(%dma_start3A_280 : memref<32x1024xf32, #tpu.memory_space<hbm>>) target(%arg5 : memref<32x1024xf32, #tpu.memory_space<vmem>>) target_semaphore(%arg7 : memref<!tpu.dma_semaphore, #tpu.memory_space<semaphore_mem>>)
    %dma_wait3A_281 = arith.constant 0 : i32
    %dma_wait3A_282 = tpu.memref_slice %arg2[%add3A_276, %dma_wait3A_281] : memref<8192x1024xf32, #tpu.memory_space<hbm>> -> memref<32x1024xf32, #tpu.memory_space<hbm>>
    %dma_wait3A_283 = arith.constant 0 : i32
    %dma_wait3A_284 = tpu.memref_slice %arg2[%add3A_276, %dma_wait3A_283] : memref<8192x1024xf32, #tpu.memory_space<hbm>> -> memref<32x1024xf32, #tpu.memory_space<hbm>>
    tpu.wait_dma2 semaphore(%arg7 : memref<!tpu.dma_semaphore, #tpu.memory_space<semaphore_mem>>) src(%dma_wait3A_284 : memref<32x1024xf32, #tpu.memory_space<hbm>>) dst(%arg5 : memref<32x1024xf32, #tpu.memory_space<vmem>>)
    %add3A_285 = arith.constant 0 : i32
    %add3A_286 = arith.addi %add3A_285, %mul3A_2 : i32
    %add3A_287 = arith.constant 160 : i32
    %add3A_288 = arith.addi %add3A_286, %add3A_287 : i32
    %dma_start3A_289 = arith.constant 0 : i32
    %dma_start3A_290 = tpu.memref_slice %arg3[%add3A_288, %dma_start3A_289] : memref<32768x1024xf32, #tpu.memory_space<hbm>> -> memref<32x1024xf32, #tpu.memory_space<hbm>>
    %dma_start3A_291 = arith.constant 0 : i32
    %dma_start3A_292 = tpu.memref_slice %arg3[%add3A_288, %dma_start3A_291] : memref<32768x1024xf32, #tpu.memory_space<hbm>> -> memref<32x1024xf32, #tpu.memory_space<hbm>>
    tpu.enqueue_dma source(%arg5 : memref<32x1024xf32, #tpu.memory_space<vmem>>) target(%dma_start3A_292 : memref<32x1024xf32, #tpu.memory_space<hbm>>) target_semaphore(%arg9 : memref<!tpu.dma_semaphore, #tpu.memory_space<semaphore_mem>>)
    %add3A_293 = arith.constant 8192 : i32
    %add3A_294 = arith.addi %add3A_293, %mul3A_2 : i32
    %add3A_295 = arith.constant 160 : i32
    %add3A_296 = arith.addi %add3A_294, %add3A_295 : i32
    %dma_start3A_297 = arith.constant 0 : i32
    %dma_start3A_298 = tpu.memref_slice %arg3[%add3A_296, %dma_start3A_297] : memref<32768x1024xf32, #tpu.memory_space<hbm>> -> memref<32x1024xf32, #tpu.memory_space<hbm>>
    %dma_start3A_299 = arith.constant 0 : i32
    %dma_start3A_300 = tpu.memref_slice %arg3[%add3A_296, %dma_start3A_299] : memref<32768x1024xf32, #tpu.memory_space<hbm>> -> memref<32x1024xf32, #tpu.memory_space<hbm>>
    tpu.enqueue_dma source(%arg5 : memref<32x1024xf32, #tpu.memory_space<vmem>>) target(%dma_start3A_300 : memref<32x1024xf32, #tpu.memory_space<hbm>>) target_semaphore(%arg9 : memref<!tpu.dma_semaphore, #tpu.memory_space<semaphore_mem>>)
    %add3A_301 = arith.constant 16384 : i32
    %add3A_302 = arith.addi %add3A_301, %mul3A_2 : i32
    %add3A_303 = arith.constant 160 : i32
    %add3A_304 = arith.addi %add3A_302, %add3A_303 : i32
    %dma_start3A_305 = arith.constant 0 : i32
    %dma_start3A_306 = tpu.memref_slice %arg3[%add3A_304, %dma_start3A_305] : memref<32768x1024xf32, #tpu.memory_space<hbm>> -> memref<32x1024xf32, #tpu.memory_space<hbm>>
    %dma_start3A_307 = arith.constant 0 : i32
    %dma_start3A_308 = tpu.memref_slice %arg3[%add3A_304, %dma_start3A_307] : memref<32768x1024xf32, #tpu.memory_space<hbm>> -> memref<32x1024xf32, #tpu.memory_space<hbm>>
    tpu.enqueue_dma source(%arg5 : memref<32x1024xf32, #tpu.memory_space<vmem>>) target(%dma_start3A_308 : memref<32x1024xf32, #tpu.memory_space<hbm>>) target_semaphore(%arg9 : memref<!tpu.dma_semaphore, #tpu.memory_space<semaphore_mem>>)
    %add3A_309 = arith.constant 24576 : i32
    %add3A_310 = arith.addi %add3A_309, %mul3A_2 : i32
    %add3A_311 = arith.constant 160 : i32
    %add3A_312 = arith.addi %add3A_310, %add3A_311 : i32
    %dma_start3A_313 = arith.constant 0 : i32
    %dma_start3A_314 = tpu.memref_slice %arg3[%add3A_312, %dma_start3A_313] : memref<32768x1024xf32, #tpu.memory_space<hbm>> -> memref<32x1024xf32, #tpu.memory_space<hbm>>
    %dma_start3A_315 = arith.constant 0 : i32
    %dma_start3A_316 = tpu.memref_slice %arg3[%add3A_312, %dma_start3A_315] : memref<32768x1024xf32, #tpu.memory_space<hbm>> -> memref<32x1024xf32, #tpu.memory_space<hbm>>
    tpu.enqueue_dma source(%arg5 : memref<32x1024xf32, #tpu.memory_space<vmem>>) target(%dma_start3A_316 : memref<32x1024xf32, #tpu.memory_space<hbm>>) target_semaphore(%arg9 : memref<!tpu.dma_semaphore, #tpu.memory_space<semaphore_mem>>)
    %dma_wait3A_317 = arith.constant 0 : i32
    %dma_wait3A_318 = tpu.memref_slice %arg3[%add3A_230, %dma_wait3A_317] : memref<32768x1024xf32, #tpu.memory_space<hbm>> -> memref<32x1024xf32, #tpu.memory_space<hbm>>
    %dma_wait3A_319 = arith.constant 0 : i32
    %dma_wait3A_320 = tpu.memref_slice %arg3[%add3A_230, %dma_wait3A_319] : memref<32768x1024xf32, #tpu.memory_space<hbm>> -> memref<32x1024xf32, #tpu.memory_space<hbm>>
    tpu.wait_dma2 semaphore(%arg8 : memref<!tpu.dma_semaphore, #tpu.memory_space<semaphore_mem>>) src(%arg4 : memref<32x1024xf32, #tpu.memory_space<vmem>>) dst(%dma_wait3A_320 : memref<32x1024xf32, #tpu.memory_space<hbm>>)
    %dma_wait3A_321 = arith.constant 0 : i32
    %dma_wait3A_322 = tpu.memref_slice %arg3[%add3A_238, %dma_wait3A_321] : memref<32768x1024xf32, #tpu.memory_space<hbm>> -> memref<32x1024xf32, #tpu.memory_space<hbm>>
    %dma_wait3A_323 = arith.constant 0 : i32
    %dma_wait3A_324 = tpu.memref_slice %arg3[%add3A_238, %dma_wait3A_323] : memref<32768x1024xf32, #tpu.memory_space<hbm>> -> memref<32x1024xf32, #tpu.memory_space<hbm>>
    tpu.wait_dma2 semaphore(%arg8 : memref<!tpu.dma_semaphore, #tpu.memory_space<semaphore_mem>>) src(%arg4 : memref<32x1024xf32, #tpu.memory_space<vmem>>) dst(%dma_wait3A_324 : memref<32x1024xf32, #tpu.memory_space<hbm>>)
    %dma_wait3A_325 = arith.constant 0 : i32
    %dma_wait3A_326 = tpu.memref_slice %arg3[%add3A_246, %dma_wait3A_325] : memref<32768x1024xf32, #tpu.memory_space<hbm>> -> memref<32x1024xf32, #tpu.memory_space<hbm>>
    %dma_wait3A_327 = arith.constant 0 : i32
    %dma_wait3A_328 = tpu.memref_slice %arg3[%add3A_246, %dma_wait3A_327] : memref<32768x1024xf32, #tpu.memory_space<hbm>> -> memref<32x1024xf32, #tpu.memory_space<hbm>>
    tpu.wait_dma2 semaphore(%arg8 : memref<!tpu.dma_semaphore, #tpu.memory_space<semaphore_mem>>) src(%arg4 : memref<32x1024xf32, #tpu.memory_space<vmem>>) dst(%dma_wait3A_328 : memref<32x1024xf32, #tpu.memory_space<hbm>>)
    %dma_wait3A_329 = arith.constant 0 : i32
    %dma_wait3A_330 = tpu.memref_slice %arg3[%add3A_254, %dma_wait3A_329] : memref<32768x1024xf32, #tpu.memory_space<hbm>> -> memref<32x1024xf32, #tpu.memory_space<hbm>>
    %dma_wait3A_331 = arith.constant 0 : i32
    %dma_wait3A_332 = tpu.memref_slice %arg3[%add3A_254, %dma_wait3A_331] : memref<32768x1024xf32, #tpu.memory_space<hbm>> -> memref<32x1024xf32, #tpu.memory_space<hbm>>
    tpu.wait_dma2 semaphore(%arg8 : memref<!tpu.dma_semaphore, #tpu.memory_space<semaphore_mem>>) src(%arg4 : memref<32x1024xf32, #tpu.memory_space<vmem>>) dst(%dma_wait3A_332 : memref<32x1024xf32, #tpu.memory_space<hbm>>)
    %add3A_333 = arith.constant 192 : i32
    %add3A_334 = arith.addi %mul3A_2, %add3A_333 : i32
    %dma_start3A_335 = arith.constant 0 : i32
    %dma_start3A_336 = tpu.memref_slice %arg2[%add3A_334, %dma_start3A_335] : memref<8192x1024xf32, #tpu.memory_space<hbm>> -> memref<32x1024xf32, #tpu.memory_space<hbm>>
    %dma_start3A_337 = arith.constant 0 : i32
    %dma_start3A_338 = tpu.memref_slice %arg2[%add3A_334, %dma_start3A_337] : memref<8192x1024xf32, #tpu.memory_space<hbm>> -> memref<32x1024xf32, #tpu.memory_space<hbm>>
    tpu.enqueue_dma source(%dma_start3A_338 : memref<32x1024xf32, #tpu.memory_space<hbm>>) target(%arg4 : memref<32x1024xf32, #tpu.memory_space<vmem>>) target_semaphore(%arg6 : memref<!tpu.dma_semaphore, #tpu.memory_space<semaphore_mem>>)
    %dma_wait3A_339 = arith.constant 0 : i32
    %dma_wait3A_340 = tpu.memref_slice %arg2[%add3A_334, %dma_wait3A_339] : memref<8192x1024xf32, #tpu.memory_space<hbm>> -> memref<32x1024xf32, #tpu.memory_space<hbm>>
    %dma_wait3A_341 = arith.constant 0 : i32
    %dma_wait3A_342 = tpu.memref_slice %arg2[%add3A_334, %dma_wait3A_341] : memref<8192x1024xf32, #tpu.memory_space<hbm>> -> memref<32x1024xf32, #tpu.memory_space<hbm>>
    tpu.wait_dma2 semaphore(%arg6 : memref<!tpu.dma_semaphore, #tpu.memory_space<semaphore_mem>>) src(%dma_wait3A_342 : memref<32x1024xf32, #tpu.memory_space<hbm>>) dst(%arg4 : memref<32x1024xf32, #tpu.memory_space<vmem>>)
    %add3A_343 = arith.constant 0 : i32
    %add3A_344 = arith.addi %add3A_343, %mul3A_2 : i32
    %add3A_345 = arith.constant 192 : i32
    %add3A_346 = arith.addi %add3A_344, %add3A_345 : i32
    %dma_start3A_347 = arith.constant 0 : i32
    %dma_start3A_348 = tpu.memref_slice %arg3[%add3A_346, %dma_start3A_347] : memref<32768x1024xf32, #tpu.memory_space<hbm>> -> memref<32x1024xf32, #tpu.memory_space<hbm>>
    %dma_start3A_349 = arith.constant 0 : i32
    %dma_start3A_350 = tpu.memref_slice %arg3[%add3A_346, %dma_start3A_349] : memref<32768x1024xf32, #tpu.memory_space<hbm>> -> memref<32x1024xf32, #tpu.memory_space<hbm>>
    tpu.enqueue_dma source(%arg4 : memref<32x1024xf32, #tpu.memory_space<vmem>>) target(%dma_start3A_350 : memref<32x1024xf32, #tpu.memory_space<hbm>>) target_semaphore(%arg8 : memref<!tpu.dma_semaphore, #tpu.memory_space<semaphore_mem>>)
    %add3A_351 = arith.constant 8192 : i32
    %add3A_352 = arith.addi %add3A_351, %mul3A_2 : i32
    %add3A_353 = arith.constant 192 : i32
    %add3A_354 = arith.addi %add3A_352, %add3A_353 : i32
    %dma_start3A_355 = arith.constant 0 : i32
    %dma_start3A_356 = tpu.memref_slice %arg3[%add3A_354, %dma_start3A_355] : memref<32768x1024xf32, #tpu.memory_space<hbm>> -> memref<32x1024xf32, #tpu.memory_space<hbm>>
    %dma_start3A_357 = arith.constant 0 : i32
    %dma_start3A_358 = tpu.memref_slice %arg3[%add3A_354, %dma_start3A_357] : memref<32768x1024xf32, #tpu.memory_space<hbm>> -> memref<32x1024xf32, #tpu.memory_space<hbm>>
    tpu.enqueue_dma source(%arg4 : memref<32x1024xf32, #tpu.memory_space<vmem>>) target(%dma_start3A_358 : memref<32x1024xf32, #tpu.memory_space<hbm>>) target_semaphore(%arg8 : memref<!tpu.dma_semaphore, #tpu.memory_space<semaphore_mem>>)
    %add3A_359 = arith.constant 16384 : i32
    %add3A_360 = arith.addi %add3A_359, %mul3A_2 : i32
    %add3A_361 = arith.constant 192 : i32
    %add3A_362 = arith.addi %add3A_360, %add3A_361 : i32
    %dma_start3A_363 = arith.constant 0 : i32
    %dma_start3A_364 = tpu.memref_slice %arg3[%add3A_362, %dma_start3A_363] : memref<32768x1024xf32, #tpu.memory_space<hbm>> -> memref<32x1024xf32, #tpu.memory_space<hbm>>
    %dma_start3A_365 = arith.constant 0 : i32
    %dma_start3A_366 = tpu.memref_slice %arg3[%add3A_362, %dma_start3A_365] : memref<32768x1024xf32, #tpu.memory_space<hbm>> -> memref<32x1024xf32, #tpu.memory_space<hbm>>
    tpu.enqueue_dma source(%arg4 : memref<32x1024xf32, #tpu.memory_space<vmem>>) target(%dma_start3A_366 : memref<32x1024xf32, #tpu.memory_space<hbm>>) target_semaphore(%arg8 : memref<!tpu.dma_semaphore, #tpu.memory_space<semaphore_mem>>)
    %add3A_367 = arith.constant 24576 : i32
    %add3A_368 = arith.addi %add3A_367, %mul3A_2 : i32
    %add3A_369 = arith.constant 192 : i32
    %add3A_370 = arith.addi %add3A_368, %add3A_369 : i32
    %dma_start3A_371 = arith.constant 0 : i32
    %dma_start3A_372 = tpu.memref_slice %arg3[%add3A_370, %dma_start3A_371] : memref<32768x1024xf32, #tpu.memory_space<hbm>> -> memref<32x1024xf32, #tpu.memory_space<hbm>>
    %dma_start3A_373 = arith.constant 0 : i32
    %dma_start3A_374 = tpu.memref_slice %arg3[%add3A_370, %dma_start3A_373] : memref<32768x1024xf32, #tpu.memory_space<hbm>> -> memref<32x1024xf32, #tpu.memory_space<hbm>>
    tpu.enqueue_dma source(%arg4 : memref<32x1024xf32, #tpu.memory_space<vmem>>) target(%dma_start3A_374 : memref<32x1024xf32, #tpu.memory_space<hbm>>) target_semaphore(%arg8 : memref<!tpu.dma_semaphore, #tpu.memory_space<semaphore_mem>>)
    %dma_wait3A_375 = arith.constant 0 : i32
    %dma_wait3A_376 = tpu.memref_slice %arg3[%add3A_288, %dma_wait3A_375] : memref<32768x1024xf32, #tpu.memory_space<hbm>> -> memref<32x1024xf32, #tpu.memory_space<hbm>>
    %dma_wait3A_377 = arith.constant 0 : i32
    %dma_wait3A_378 = tpu.memref_slice %arg3[%add3A_288, %dma_wait3A_377] : memref<32768x1024xf32, #tpu.memory_space<hbm>> -> memref<32x1024xf32, #tpu.memory_space<hbm>>
    tpu.wait_dma2 semaphore(%arg9 : memref<!tpu.dma_semaphore, #tpu.memory_space<semaphore_mem>>) src(%arg5 : memref<32x1024xf32, #tpu.memory_space<vmem>>) dst(%dma_wait3A_378 : memref<32x1024xf32, #tpu.memory_space<hbm>>)
    %dma_wait3A_379 = arith.constant 0 : i32
    %dma_wait3A_380 = tpu.memref_slice %arg3[%add3A_296, %dma_wait3A_379] : memref<32768x1024xf32, #tpu.memory_space<hbm>> -> memref<32x1024xf32, #tpu.memory_space<hbm>>
    %dma_wait3A_381 = arith.constant 0 : i32
    %dma_wait3A_382 = tpu.memref_slice %arg3[%add3A_296, %dma_wait3A_381] : memref<32768x1024xf32, #tpu.memory_space<hbm>> -> memref<32x1024xf32, #tpu.memory_space<hbm>>
    tpu.wait_dma2 semaphore(%arg9 : memref<!tpu.dma_semaphore, #tpu.memory_space<semaphore_mem>>) src(%arg5 : memref<32x1024xf32, #tpu.memory_space<vmem>>) dst(%dma_wait3A_382 : memref<32x1024xf32, #tpu.memory_space<hbm>>)
    %dma_wait3A_383 = arith.constant 0 : i32
    %dma_wait3A_384 = tpu.memref_slice %arg3[%add3A_304, %dma_wait3A_383] : memref<32768x1024xf32, #tpu.memory_space<hbm>> -> memref<32x1024xf32, #tpu.memory_space<hbm>>
    %dma_wait3A_385 = arith.constant 0 : i32
    %dma_wait3A_386 = tpu.memref_slice %arg3[%add3A_304, %dma_wait3A_385] : memref<32768x1024xf32, #tpu.memory_space<hbm>> -> memref<32x1024xf32, #tpu.memory_space<hbm>>
    tpu.wait_dma2 semaphore(%arg9 : memref<!tpu.dma_semaphore, #tpu.memory_space<semaphore_mem>>) src(%arg5 : memref<32x1024xf32, #tpu.memory_space<vmem>>) dst(%dma_wait3A_386 : memref<32x1024xf32, #tpu.memory_space<hbm>>)
    %dma_wait3A_387 = arith.constant 0 : i32
    %dma_wait3A_388 = tpu.memref_slice %arg3[%add3A_312, %dma_wait3A_387] : memref<32768x1024xf32, #tpu.memory_space<hbm>> -> memref<32x1024xf32, #tpu.memory_space<hbm>>
    %dma_wait3A_389 = arith.constant 0 : i32
    %dma_wait3A_390 = tpu.memref_slice %arg3[%add3A_312, %dma_wait3A_389] : memref<32768x1024xf32, #tpu.memory_space<hbm>> -> memref<32x1024xf32, #tpu.memory_space<hbm>>
    tpu.wait_dma2 semaphore(%arg9 : memref<!tpu.dma_semaphore, #tpu.memory_space<semaphore_mem>>) src(%arg5 : memref<32x1024xf32, #tpu.memory_space<vmem>>) dst(%dma_wait3A_390 : memref<32x1024xf32, #tpu.memory_space<hbm>>)
    %add3A_391 = arith.constant 224 : i32
    %add3A_392 = arith.addi %mul3A_2, %add3A_391 : i32
    %dma_start3A_393 = arith.constant 0 : i32
    %dma_start3A_394 = tpu.memref_slice %arg2[%add3A_392, %dma_start3A_393] : memref<8192x1024xf32, #tpu.memory_space<hbm>> -> memref<32x1024xf32, #tpu.memory_space<hbm>>
    %dma_start3A_395 = arith.constant 0 : i32
    %dma_start3A_396 = tpu.memref_slice %arg2[%add3A_392, %dma_start3A_395] : memref<8192x1024xf32, #tpu.memory_space<hbm>> -> memref<32x1024xf32, #tpu.memory_space<hbm>>
    tpu.enqueue_dma source(%dma_start3A_396 : memref<32x1024xf32, #tpu.memory_space<hbm>>) target(%arg5 : memref<32x1024xf32, #tpu.memory_space<vmem>>) target_semaphore(%arg7 : memref<!tpu.dma_semaphore, #tpu.memory_space<semaphore_mem>>)
    %dma_wait3A_397 = arith.constant 0 : i32
    %dma_wait3A_398 = tpu.memref_slice %arg2[%add3A_392, %dma_wait3A_397] : memref<8192x1024xf32, #tpu.memory_space<hbm>> -> memref<32x1024xf32, #tpu.memory_space<hbm>>
    %dma_wait3A_399 = arith.constant 0 : i32
    %dma_wait3A_400 = tpu.memref_slice %arg2[%add3A_392, %dma_wait3A_399] : memref<8192x1024xf32, #tpu.memory_space<hbm>> -> memref<32x1024xf32, #tpu.memory_space<hbm>>
    tpu.wait_dma2 semaphore(%arg7 : memref<!tpu.dma_semaphore, #tpu.memory_space<semaphore_mem>>) src(%dma_wait3A_400 : memref<32x1024xf32, #tpu.memory_space<hbm>>) dst(%arg5 : memref<32x1024xf32, #tpu.memory_space<vmem>>)
    %add3A_401 = arith.constant 0 : i32
    %add3A_402 = arith.addi %add3A_401, %mul3A_2 : i32
    %add3A_403 = arith.constant 224 : i32
    %add3A_404 = arith.addi %add3A_402, %add3A_403 : i32
    %dma_start3A_405 = arith.constant 0 : i32
    %dma_start3A_406 = tpu.memref_slice %arg3[%add3A_404, %dma_start3A_405] : memref<32768x1024xf32, #tpu.memory_space<hbm>> -> memref<32x1024xf32, #tpu.memory_space<hbm>>
    %dma_start3A_407 = arith.constant 0 : i32
    %dma_start3A_408 = tpu.memref_slice %arg3[%add3A_404, %dma_start3A_407] : memref<32768x1024xf32, #tpu.memory_space<hbm>> -> memref<32x1024xf32, #tpu.memory_space<hbm>>
    tpu.enqueue_dma source(%arg5 : memref<32x1024xf32, #tpu.memory_space<vmem>>) target(%dma_start3A_408 : memref<32x1024xf32, #tpu.memory_space<hbm>>) target_semaphore(%arg9 : memref<!tpu.dma_semaphore, #tpu.memory_space<semaphore_mem>>)
    %add3A_409 = arith.constant 8192 : i32
    %add3A_410 = arith.addi %add3A_409, %mul3A_2 : i32
    %add3A_411 = arith.constant 224 : i32
    %add3A_412 = arith.addi %add3A_410, %add3A_411 : i32
    %dma_start3A_413 = arith.constant 0 : i32
    %dma_start3A_414 = tpu.memref_slice %arg3[%add3A_412, %dma_start3A_413] : memref<32768x1024xf32, #tpu.memory_space<hbm>> -> memref<32x1024xf32, #tpu.memory_space<hbm>>
    %dma_start3A_415 = arith.constant 0 : i32
    %dma_start3A_416 = tpu.memref_slice %arg3[%add3A_412, %dma_start3A_415] : memref<32768x1024xf32, #tpu.memory_space<hbm>> -> memref<32x1024xf32, #tpu.memory_space<hbm>>
    tpu.enqueue_dma source(%arg5 : memref<32x1024xf32, #tpu.memory_space<vmem>>) target(%dma_start3A_416 : memref<32x1024xf32, #tpu.memory_space<hbm>>) target_semaphore(%arg9 : memref<!tpu.dma_semaphore, #tpu.memory_space<semaphore_mem>>)
    %add3A_417 = arith.constant 16384 : i32
    %add3A_418 = arith.addi %add3A_417, %mul3A_2 : i32
    %add3A_419 = arith.constant 224 : i32
    %add3A_420 = arith.addi %add3A_418, %add3A_419 : i32
    %dma_start3A_421 = arith.constant 0 : i32
    %dma_start3A_422 = tpu.memref_slice %arg3[%add3A_420, %dma_start3A_421] : memref<32768x1024xf32, #tpu.memory_space<hbm>> -> memref<32x1024xf32, #tpu.memory_space<hbm>>
    %dma_start3A_423 = arith.constant 0 : i32
    %dma_start3A_424 = tpu.memref_slice %arg3[%add3A_420, %dma_start3A_423] : memref<32768x1024xf32, #tpu.memory_space<hbm>> -> memref<32x1024xf32, #tpu.memory_space<hbm>>
    tpu.enqueue_dma source(%arg5 : memref<32x1024xf32, #tpu.memory_space<vmem>>) target(%dma_start3A_424 : memref<32x1024xf32, #tpu.memory_space<hbm>>) target_semaphore(%arg9 : memref<!tpu.dma_semaphore, #tpu.memory_space<semaphore_mem>>)
    %add3A_425 = arith.constant 24576 : i32
    %add3A_426 = arith.addi %add3A_425, %mul3A_2 : i32
    %add3A_427 = arith.constant 224 : i32
    %add3A_428 = arith.addi %add3A_426, %add3A_427 : i32
    %dma_start3A_429 = arith.constant 0 : i32
    %dma_start3A_430 = tpu.memref_slice %arg3[%add3A_428, %dma_start3A_429] : memref<32768x1024xf32, #tpu.memory_space<hbm>> -> memref<32x1024xf32, #tpu.memory_space<hbm>>
    %dma_start3A_431 = arith.constant 0 : i32
    %dma_start3A_432 = tpu.memref_slice %arg3[%add3A_428, %dma_start3A_431] : memref<32768x1024xf32, #tpu.memory_space<hbm>> -> memref<32x1024xf32, #tpu.memory_space<hbm>>
    tpu.enqueue_dma source(%arg5 : memref<32x1024xf32, #tpu.memory_space<vmem>>) target(%dma_start3A_432 : memref<32x1024xf32, #tpu.memory_space<hbm>>) target_semaphore(%arg9 : memref<!tpu.dma_semaphore, #tpu.memory_space<semaphore_mem>>)
    %dma_wait3A_433 = arith.constant 0 : i32
    %dma_wait3A_434 = tpu.memref_slice %arg3[%add3A_346, %dma_wait3A_433] : memref<32768x1024xf32, #tpu.memory_space<hbm>> -> memref<32x1024xf32, #tpu.memory_space<hbm>>
    %dma_wait3A_435 = arith.constant 0 : i32
    %dma_wait3A_436 = tpu.memref_slice %arg3[%add3A_346, %dma_wait3A_435] : memref<32768x1024xf32, #tpu.memory_space<hbm>> -> memref<32x1024xf32, #tpu.memory_space<hbm>>
    tpu.wait_dma2 semaphore(%arg8 : memref<!tpu.dma_semaphore, #tpu.memory_space<semaphore_mem>>) src(%arg4 : memref<32x1024xf32, #tpu.memory_space<vmem>>) dst(%dma_wait3A_436 : memref<32x1024xf32, #tpu.memory_space<hbm>>)
    %dma_wait3A_437 = arith.constant 0 : i32
    %dma_wait3A_438 = tpu.memref_slice %arg3[%add3A_354, %dma_wait3A_437] : memref<32768x1024xf32, #tpu.memory_space<hbm>> -> memref<32x1024xf32, #tpu.memory_space<hbm>>
    %dma_wait3A_439 = arith.constant 0 : i32
    %dma_wait3A_440 = tpu.memref_slice %arg3[%add3A_354, %dma_wait3A_439] : memref<32768x1024xf32, #tpu.memory_space<hbm>> -> memref<32x1024xf32, #tpu.memory_space<hbm>>
    tpu.wait_dma2 semaphore(%arg8 : memref<!tpu.dma_semaphore, #tpu.memory_space<semaphore_mem>>) src(%arg4 : memref<32x1024xf32, #tpu.memory_space<vmem>>) dst(%dma_wait3A_440 : memref<32x1024xf32, #tpu.memory_space<hbm>>)
    %dma_wait3A_441 = arith.constant 0 : i32
    %dma_wait3A_442 = tpu.memref_slice %arg3[%add3A_362, %dma_wait3A_441] : memref<32768x1024xf32, #tpu.memory_space<hbm>> -> memref<32x1024xf32, #tpu.memory_space<hbm>>
    %dma_wait3A_443 = arith.constant 0 : i32
    %dma_wait3A_444 = tpu.memref_slice %arg3[%add3A_362, %dma_wait3A_443] : memref<32768x1024xf32, #tpu.memory_space<hbm>> -> memref<32x1024xf32, #tpu.memory_space<hbm>>
    tpu.wait_dma2 semaphore(%arg8 : memref<!tpu.dma_semaphore, #tpu.memory_space<semaphore_mem>>) src(%arg4 : memref<32x1024xf32, #tpu.memory_space<vmem>>) dst(%dma_wait3A_444 : memref<32x1024xf32, #tpu.memory_space<hbm>>)
    %dma_wait3A_445 = arith.constant 0 : i32
    %dma_wait3A_446 = tpu.memref_slice %arg3[%add3A_370, %dma_wait3A_445] : memref<32768x1024xf32, #tpu.memory_space<hbm>> -> memref<32x1024xf32, #tpu.memory_space<hbm>>
    %dma_wait3A_447 = arith.constant 0 : i32
    %dma_wait3A_448 = tpu.memref_slice %arg3[%add3A_370, %dma_wait3A_447] : memref<32768x1024xf32, #tpu.memory_space<hbm>> -> memref<32x1024xf32, #tpu.memory_space<hbm>>
    tpu.wait_dma2 semaphore(%arg8 : memref<!tpu.dma_semaphore, #tpu.memory_space<semaphore_mem>>) src(%arg4 : memref<32x1024xf32, #tpu.memory_space<vmem>>) dst(%dma_wait3A_448 : memref<32x1024xf32, #tpu.memory_space<hbm>>)
    %dma_wait3A_449 = arith.constant 0 : i32
    %dma_wait3A_450 = tpu.memref_slice %arg3[%add3A_404, %dma_wait3A_449] : memref<32768x1024xf32, #tpu.memory_space<hbm>> -> memref<32x1024xf32, #tpu.memory_space<hbm>>
    %dma_wait3A_451 = arith.constant 0 : i32
    %dma_wait3A_452 = tpu.memref_slice %arg3[%add3A_404, %dma_wait3A_451] : memref<32768x1024xf32, #tpu.memory_space<hbm>> -> memref<32x1024xf32, #tpu.memory_space<hbm>>
    tpu.wait_dma2 semaphore(%arg9 : memref<!tpu.dma_semaphore, #tpu.memory_space<semaphore_mem>>) src(%arg5 : memref<32x1024xf32, #tpu.memory_space<vmem>>) dst(%dma_wait3A_452 : memref<32x1024xf32, #tpu.memory_space<hbm>>)
    %dma_wait3A_453 = arith.constant 0 : i32
    %dma_wait3A_454 = tpu.memref_slice %arg3[%add3A_412, %dma_wait3A_453] : memref<32768x1024xf32, #tpu.memory_space<hbm>> -> memref<32x1024xf32, #tpu.memory_space<hbm>>
    %dma_wait3A_455 = arith.constant 0 : i32
    %dma_wait3A_456 = tpu.memref_slice %arg3[%add3A_412, %dma_wait3A_455] : memref<32768x1024xf32, #tpu.memory_space<hbm>> -> memref<32x1024xf32, #tpu.memory_space<hbm>>
    tpu.wait_dma2 semaphore(%arg9 : memref<!tpu.dma_semaphore, #tpu.memory_space<semaphore_mem>>) src(%arg5 : memref<32x1024xf32, #tpu.memory_space<vmem>>) dst(%dma_wait3A_456 : memref<32x1024xf32, #tpu.memory_space<hbm>>)
    %dma_wait3A_457 = arith.constant 0 : i32
    %dma_wait3A_458 = tpu.memref_slice %arg3[%add3A_420, %dma_wait3A_457] : memref<32768x1024xf32, #tpu.memory_space<hbm>> -> memref<32x1024xf32, #tpu.memory_space<hbm>>
    %dma_wait3A_459 = arith.constant 0 : i32
    %dma_wait3A_460 = tpu.memref_slice %arg3[%add3A_420, %dma_wait3A_459] : memref<32768x1024xf32, #tpu.memory_space<hbm>> -> memref<32x1024xf32, #tpu.memory_space<hbm>>
    tpu.wait_dma2 semaphore(%arg9 : memref<!tpu.dma_semaphore, #tpu.memory_space<semaphore_mem>>) src(%arg5 : memref<32x1024xf32, #tpu.memory_space<vmem>>) dst(%dma_wait3A_460 : memref<32x1024xf32, #tpu.memory_space<hbm>>)
    %dma_wait3A_461 = arith.constant 0 : i32
    %dma_wait3A_462 = tpu.memref_slice %arg3[%add3A_428, %dma_wait3A_461] : memref<32768x1024xf32, #tpu.memory_space<hbm>> -> memref<32x1024xf32, #tpu.memory_space<hbm>>
    %dma_wait3A_463 = arith.constant 0 : i32
    %dma_wait3A_464 = tpu.memref_slice %arg3[%add3A_428, %dma_wait3A_463] : memref<32768x1024xf32, #tpu.memory_space<hbm>> -> memref<32x1024xf32, #tpu.memory_space<hbm>>
    tpu.wait_dma2 semaphore(%arg9 : memref<!tpu.dma_semaphore, #tpu.memory_space<semaphore_mem>>) src(%arg5 : memref<32x1024xf32, #tpu.memory_space<vmem>>) dst(%dma_wait3A_464 : memref<32x1024xf32, #tpu.memory_space<hbm>>)
    return
  }
}

</mosaic_0001>

<sc_bundles>
// kernel: kernel.3.cloned.1.call-start
scs
__scs_entry_jumppad:
0x0: {  	(pc) =	sbr.rel $0x88, $3  }
0x1: {  	(tag) =	ssettag $0x0;
	lr =	simm.s32 $0x1  }
0x2: {  	[smem:$0x3FA0] =	sst lr;
	_ =	strace $0xD0000000  }
0x3: {  	_ = 	snop  }
0x4: {  	_ = 	snop  }
0x5: {  	_ = 	snop  }
0x6: {  	_ = 	snop  }
0x7: {  	_ = 	snop  }
__scs_overlays_trampoline_lowered:
0x8: {  	[smem:$0x3FAF] =	sst s0  }
0x9: {  	[smem:$0x3FB0] =	sst s1  }
0xa: {  	[smem:$0x3FB1] =	sst s2  }
0xb: {  	[smem:$0x3FB2] =	sst s3  }
0xc: {  	[smem:$0x3FB3] =	sst s4  }
0xd: {  	[smem:$0x3FB4] =	sst s5  }
0xe: {  	[smem:$0x3FB5] =	sst s6  }
0xf: {  	[smem:$0x3FB6] =	sst s7  }
0x10: {  	[smem:$0x3FB7] =	sst s8  }
0x11: {  	[smem:$0x3FB8] =	sst s9;
	s0 =	simm.s32 @!p0 $0x0  }
0x12: {  	s1 =	sld [smem:$0x3F9E];
	s0 =	simm.s32 @p0 $0x1  }
0x13: {  	[smem:$0x3FB9] =	sst s0;
	s0 =	simm.s32 @!p1 $0x0  }
0x14: {  	s2 =	sld [smem:$0x3F9D];
	s0 =	simm.s32 @p1 $0x1  }
0x15: {  	[smem:$0x3FBA] =	sst s0;
	s0 =	simm.s32 @!p2 $0x0  }
0x16: {  	s3 =	sld [smem:$0x3FDB];
	s0 =	simm.s32 @p2 $0x1  }
0x17: {  	s4 =	simm.s32 $0x1BF5;
	[smem:$0x3FBC] =	sst s0  }
0x18: {  	s0 =	sld [smem:$0x3F9F];
	_ =	swait.ge [sflag:s4], $0x0  }
0x19: {  	s7 =	sld [smem:$0x3FA0]  }
0x1a: {  	s8 =	sadd.s32 $0xFFFFE003, lr  }
0x1b: {  	s9 =	sadd.s32 $0xFFFFFEF7, lr;
	s5 =	simm.s32 $0xFFFFFFFF;
	p2 =	slt.u32 s8, $0xFFFFF086  }
0x1c: {  	p1 =	slt.u32 s9, $0xF7A;
	s5 =	simm.s32 @!p2 $0x0  }
0x1d: {  	s5 =	simm.s32 @p1 $0x1;
	p0 =	seq.s32 s7, s2  }
0x1e: {  	s7 =	smul.u32 @!p0 $0xF7A, s2;
	p2 =	seq.s32 @!p0 s5, $0x0  }
0x1f: {  	s9 =	smul.u32 $0xF7A, s1;
	s8 =	simm.s32 @!p0 $0x1BF5;
	p2 =	por !p2, p0  }
0x20: {  	[sflag:s8] =	ssyncset.s32 @!p0 $0xFFFFF086;
	s6 =	sadd.s32 @!p0 s3, s7;
	s7 =	simm.s32 @!p0 $0x108  }
0x21: {  	s3 =	sadd.s32 s3, s9;
	s6 =	sadd.s32 @!p0 $0x88, s6;
	s7 =	simm.s32 @p2 $0x1082  }
0x22: {  	[simem:s7], [sflag:s8] =	dma.local @!p0 [hbm:s6], $0xF7A  }
0x23: {  	s9 =	sor.u32 $0xD0000000, s2;
	s6 =	simm.s32 $0x108;
	_ =	swait.ge @!p0 [sflag:s8], $0x0  }
0x24: {  	s3 =	sadd.s32 $0x88, s3;
	s6 =	simm.s32 @!p1 $0x1082;
	[sflag:s4] =	ssyncset.s32 $0xFFFFF086  }
0x25: {  	[simem:s6], [sflag:s4] =	dma.local [hbm:s3], $0xF7A  }
0x26: {  	[smem:$0x3FA0] =	sst s1;
	(tag) =	ssettag s2;
	_ =	strace s9  }
0x27: {  	s1 =	sld [smem:$0x3FB0]  }
0x28: {  	s2 =	sld [smem:$0x3FB1]  }
0x29: {  	s4 =	sld [smem:$0x3FB3]  }
0x2a: {  	p0 =	seq.s32 s5, $0x0;
	s5 =	sld [smem:$0x3FB4]  }
0x2b: {  	s6 =	sld [smem:$0x3FB5]  }
0x2c: {  	s7 =	sld [smem:$0x3FB6]  }
0x2d: {  	s3 =	simm.s32 $0x108;
	s8 =	sld [smem:$0x3FB7]  }
0x2e: {  	s3 =	simm.s32 @!p0 $0x1082;
	s9 =	sld [smem:$0x3FB8]  }
0x2f: {  	lr =	sadd.s32 s0, s3;
	s0 =	sld [smem:$0x3FAF]  }
0x30: {  	s3 =	sld [smem:$0x3FB2]  }
0x31: {  	[smem:$0x3FBB] =	sst s10  }
0x32: {  	s10 =	sld [smem:$0x3FB9];
	_ =	sdelay $0x3  }
0x33: {  	p0 =	seq.s32 s10, $0x1;
	s10 =	sld [smem:$0x3FBB];
	_ =	sdelay $0x3  }
0x34: {  	[smem:$0x3FBB] =	sst s10  }
0x35: {  	s10 =	sld [smem:$0x3FBA];
	_ =	sdelay $0x3  }
0x36: {  	p1 =	seq.s32 s10, $0x1;
	s10 =	sld [smem:$0x3FBB];
	_ =	sdelay $0x3  }
0x37: {  	[smem:$0x3FBB] =	sst s10  }
0x38: {  	s10 =	sld [smem:$0x3FBC]  }
0x39: {  	_ = 	snop;
	(pc) =	sbr.ind lr, $3  }
0x3a: {  	_ = 	snop  }
0x3b: {  	_ = 	snop  }
0x3c: {  	p2 =	seq.s32 s10, $0x1;
	s10 =	sld [smem:$0x3FBB]  }
0x3d: {  	_ =	shalt  }
0x3e: {  	_ =	shalt  }
0x3f: {  	_ =	shalt  }
0x40: {  	_ =	shalt  }
0x41: {  	_ =	shalt  }
0x42: {  	_ =	shalt  }
0x43: {  	_ =	shalt  }
0x44: {  	_ =	shalt  }
0x45: {  	_ =	shalt  }
0x46: {  	_ =	shalt  }
0x47: {  	_ =	shalt  }
0x48: {  	_ =	shalt  }
0x49: {  	_ =	shalt  }
0x4a: {  	_ =	shalt  }
0x4b: {  	_ =	shalt  }
0x4c: {  	_ =	shalt  }
0x4d: {  	_ =	shalt  }
0x4e: {  	_ =	shalt  }
0x4f: {  	_ =	shalt  }
0x50: {  	_ =	shalt  }
0x51: {  	_ =	shalt  }
0x52: {  	_ =	shalt  }
0x53: {  	_ =	shalt  }
0x54: {  	_ =	shalt  }
0x55: {  	_ =	shalt  }
0x56: {  	_ =	shalt  }
0x57: {  	_ =	shalt  }
0x58: {  	_ =	shalt  }
0x59: {  	_ =	shalt  }
0x5a: {  	_ =	shalt  }
0x5b: {  	_ =	shalt  }
0x5c: {  	_ =	shalt  }
0x5d: {  	_ =	shalt  }
0x5e: {  	_ =	shalt  }
0x5f: {  	_ =	shalt  }
0x60: {  	_ =	shalt  }
0x61: {  	_ =	shalt  }
0x62: {  	_ =	shalt  }
0x63: {  	_ =	shalt  }
0x64: {  	_ =	shalt  }
0x65: {  	_ =	shalt  }
0x66: {  	_ =	shalt  }
0x67: {  	_ =	shalt  }
0x68: {  	_ =	shalt  }
0x69: {  	_ =	shalt  }
0x6a: {  	_ =	shalt  }
0x6b: {  	_ =	shalt  }
0x6c: {  	_ =	shalt  }
0x6d: {  	_ =	shalt  }
0x6e: {  	_ =	shalt  }
0x6f: {  	_ =	shalt  }
0x70: {  	_ =	shalt  }
0x71: {  	_ =	shalt  }
0x72: {  	_ =	shalt  }
0x73: {  	_ =	shalt  }
0x74: {  	_ =	shalt  }
0x75: {  	_ =	shalt  }
0x76: {  	_ =	shalt  }
0x77: {  	_ =	shalt  }
0x78: {  	_ =	shalt  }
0x79: {  	_ =	shalt  }
0x7a: {  	_ =	shalt  }
0x7b: {  	_ =	shalt  }
0x7c: {  	_ =	shalt  }
0x7d: {  	_ =	shalt  }
0x7e: {  	_ =	shalt  }
0x7f: {  	_ =	shalt  }
0x80: {  	_ =	shalt  }
0x81: {  	_ =	shalt  }
0x82: {  	_ =	shalt  }
0x83: {  	_ =	shalt  }
0x84: {  	_ =	shalt  }
0x85: {  	_ =	shalt  }
0x86: {  	_ =	shalt  }
0x87: {  	_ =	shalt  }
.Lfunc_end0:
.L_simem_size_0:
called_computation_lowered:
.L_overlay_start_0:
0x88: {  	s2 =	sld [smem:$0x3FD9]  }
0x89: {  	s3 =	sld [smem:$0x3FFE];
	_ =	sdelay $0x1  }
0x8a: {  	s1 =	srdreg.scid  }
0x8b: {  	s0 =	sand.u32 $0x1, s1  }
0x8c: {  	s18 =	sshll.u32 s0, $0xA;
	s2 =	sadd.s32 s3, s2  }
0x8d: {  	s2 =	sadd.s32 s2, s18  }
0x8e: {  	[smem:$0x3FC7] =	sst s2  }
0x8f: {  	_ = 	snop  }
0x90: {  	s2 =	sld [smem:$0x3FC9]  }
0x91: {  	s19 =	sld [smem:$0x3FD0];
	(tm) =	ssettm $0x1  }
0x92: {  	s4 =	sld [smem:$0x3FFB];
	_ =	sdelay $0x3  }
0x93: {  	_ =	strace s4  }
0x94: {  	s4 =	sld [smem:$0x3FFC];
	_ =	sdelay $0x3  }
0x95: {  	_ =	strace s4  }
0x96: {  	s4 =	sld [smem:$0x3FFD];
	_ =	sdelay $0x3  }
0x97: {  	_ =	strace s4  }
0x98: {  	_ =	strace $0x8FFFFFFF  }
0x99: {  	s20 =	sld [smem:$0x3FDB];
	_ =	sdelay $0x1  }
0x9a: {  	s5 =	simm.s32 $_scs_section_size  }
0x9b: {  	s6 =	simm.s32 $_size__tile_overlayer_lowered;
	s7 =	simm.s32 $_tile_overlayer_lowered  }
0x9c: {  	s23 =	simm.s32 $0x1BFF;
	s22 =	sshll.u32 s7, $0x1;
	s4 =	sadd.s32 s5, s20  }
0x9d: {  	s8 =	simm.s32 $0x0;
	s21 =	sshll.u32 s6, $0x1;
	s6 =	sadd.s32 s22, s4  }
0x9e: {  	[timem:s8], [sflag:s23] =	dma.local [hbm:s6], s21  }
0x9f: {  	_ =	swait.ge [sflag:s23], s21  }
0xa0: {  	s5 =	ssub.s32 $0x0, s21;
	[sflag:s23] =	ssyncset.done $0x0  }
0xa1: {  	[sflag:s23] =	ssyncadd.s32 s5;
	_ =	sdelay $0x1  }
0xa2: {  	s24 =	simm.s32 $0x1B8B  }
0xa3: {  	_ =	swait.ge [sflag:s24], $0x1  }
0xa4: {  	[sflag:s24] =	ssyncset.done $0x0  }
0xa5: {  	s25 =	simm.s32 $0x1B8E;
	[sflag:s24] =	ssyncadd.s32 $0xFFFFFFFF  }
0xa6: {  	s26 =	simm.s32 $execute0_lowered;
	[smem:$0x3FD2] =	sst s25  }
0xa7: {  	s5 =	sshll.u32 s26, $0x1;
	_ =	strace $0x80000046;
	[dreg:$0x1] =	wrdreg $0xFFFFFFFF  }
0xa8: {  	s28 =	simm.s32 $_size_execute0_lowered;
	s4 =	sadd.s32 s4, s5;
	[dreg:$0x0] =	wrdreg $0x0  }
0xa9: {  	s5 =	sshll.u32 s28, $0x1;
	[dreg:$0x2] =	wrdreg s4  }
0xaa: {  	[dreg:$0x3] =	wrdreg s5  }
0xab: {  	[dreg:$0x4] =	wrdreg $0xC0  }
0xac: {  	_ =	task [dreg:s8], $0x5FFFF  }
0xad: {  	[dreg:$0x1] =	wrdreg $0xFFFFFFFF  }
0xae: {  	[dreg:$0x0] =	wrdreg $0x60  }
0xaf: {  	[dreg:$0x2] =	wrdreg s2  }
0xb0: {  	[dreg:$0x3] =	wrdreg s19  }
0xb1: {  	[dreg:$0x4] =	wrdreg $0x9  }
0xb2: {  	_ =	task.clear_ibuf [dreg:s8], $0x5FFFF;
	_ =	strace $0x90000046  }
0xb3: {  	s29 =	simm.s32 $0x9;
	_ =	strace $0x80000048  }
0xb4: {  	_ =	swait.ge [sflag:s29], $0x1  }
0xb5: {  	[sflag:s29] =	ssyncadd.s32 $0xFFFFFFFF  }
0xb6: {  	_ =	strace $0x90000048  }
0xb7: {  	_ =	sfence  }
0xb8: {  	s30 =	sld [smem:$0x0];
	_ =	sdelay $0x2  }
0xb9: {  	s31 =	sshll.u32 s1, $0xD;
	s1 =	sshrl.u32 s1, $0x2  }
0xba: {  	s3 =	sand.u32 $0x4000, s31;
	s1 =	sadd.s32 s1, s30  }
0xbb: {  	s0 =	sor.u32 s3, s0;
	s1 =	sshll.u32 s1, $0x11  }
0xbc: {  	s0 =	sor.u32 s1, s0  }
0xbd: {  	s0 =	sadd.s32 $0x8F2B, s0  }
0xbe: {  	[sflag:s0] =	ssyncadd.remote.s32 $0x1  }
0xbf: {  	_ =	sfence.sel $0xFFFF  }
0xc0: {  	[dreg:$0x0] =	wrdreg $0xFFFFFFFF;
	(pc) =	sbr.abs _section_cstart, $3  }
0xc1: {  	[dreg:$0x1] =	wrdreg $0xFFFFFFFF  }
0xc2: {  	_ =	task.clear_ibuf [dreg:s8], $0x2FFFF;
	_ =	strace $0x9FFFFFFF  }
0xc3: {  	(tm) =	ssettm $0x7FFFFFFF  }
tec
execute0_lowered:
.L_overlay_start_1:
0x0: {  	(tag) =	ssettag $0x1  }
0x1: {  	s1 =	srdreg.scid  }
0x2: {  	s4 =	stileid.u32;
	s1 =	sand.u32 $0x1, s1  }
0x3: {  	s0 =	rddreg [dreg:$0x0];
	s4 =	sshll.u32 s4, $0x10;
	s5 =	sshll.u32 s1, $0xF  }
0x4: {  	s3 =	rddreg [dreg:$0x1];
	s2 =	simm.s32 $0x0;
	s4 =	sor.u32 s5, s4  }
0x5: {  	[smem:$0x7FF] =	sst s2;
	s5 =	sadd.s32 s0, s4;
	s6 =	sadd.s32 s3, s4  }
0x6: {  	_ =	strace $0x80000047;
	[dreg:$0x3] =	wrdreg s5;
	s12 =	sadd.s32 $0x100000, s6  }
0x7: {  	s13 =	sadd.s32 $0x200000, s6;
	[dreg:$0x4] =	wrdreg s12  }
0x8: {  	s7 =	sor.u32 $0x1000, s4;
	s14 =	sadd.s32 $0x300000, s6;
	[dreg:$0x5] =	wrdreg s13  }
0x9: {  	s15 =	sadd.s32 s0, s7;
	[dreg:$0x6] =	wrdreg s14  }
0xa: {  	p0 =	por $0x0, $0x0;
	s16 =	sadd.s32 s3, s7;
	[dreg:$0x7] =	wrdreg s15  }
0xb: {  	s31 =	simm.s32 $0x8000;
	s17 =	sadd.s32 $0x101000, s6;
	[dreg:$0x8] =	wrdreg s16  }
0xc: {  	s1 =	ssub.s32 $0x2, s1;
	s18 =	sadd.s32 $0x201000, s6;
	[dreg:$0x9] =	wrdreg s17  }
0xd: {  	s20 =	sor.u32 $0x2000, s4;
	s19 =	sadd.s32 $0x301000, s6;
	[dreg:$0xa] =	wrdreg s18  }
0xe: {  	s10 =	sshrl.u32 s1, $0x1;
	s21 =	sadd.s32 s0, s20;
	[dreg:$0xb] =	wrdreg s19  }
0xf: {  	s26 =	sor.u32 $0x3000, s4;
	s22 =	sadd.s32 s3, s20;
	[dreg:$0xc] =	wrdreg s21  }
0x10: {  	s1 =	ssub.s32 s1, s10;
	s23 =	sadd.s32 $0x102000, s6;
	[dreg:$0xd] =	wrdreg s22  }
0x11: {  	s24 =	sadd.s32 $0x202000, s6;
	s25 =	sadd.s32 $0x302000, s6;
	[dreg:$0xe] =	wrdreg s23  }
0x12: {  	s8 =	sadd.s32 s0, s26;
	s9 =	sadd.s32 s3, s26;
	[dreg:$0xf] =	wrdreg s24  }
0x13: {  	s11 =	sadd.s32 $0x103000, s6;
	s29 =	sadd.s32 $0x203000, s6;
	[dreg:$0x10] =	wrdreg s25  }
0x14: {  	s30 =	sadd.s32 $0x303000, s6;
	s26 =	sadd.s32 $0x304000, s6;
	[dreg:$0x11] =	wrdreg s8  }
0x15: {  	s20 =	sadd.s32 $0x305000, s6;
	s7 =	sadd.s32 $0x107000, s6;
	[dreg:$0x12] =	wrdreg s9  }
0x16: {  	[dreg:$0x13] =	wrdreg s11;
	s12 =	sor.u32 $0x4000, s4;
	s24 =	sadd.s32 $0x104000, s6  }
0x17: {  	s25 =	sadd.s32 $0x204000, s6;
	s13 =	sor.u32 $0x5000, s4;
	s18 =	sadd.s32 $0x105000, s6  }
0x18: {  	s19 =	sadd.s32 $0x205000, s6;
	s14 =	sor.u32 $0x6000, s4;
	s15 =	sadd.s32 $0x106000, s6  }
0x19: {  	s4 =	sor.u32 $0x7000, s4;
	s21 =	smax.u32 s1, $0x1;
	s8 =	sadd.s32 $0x307000, s6  }
0x1a: {  	s11 =	simm.s32 $0x2;
	s1 =	rddreg [dreg:$0x3];
	s28 =	sadd.s32 s0, s12  }
0x1b: {  	s23 =	sadd.s32 s3, s12;
	s22 =	sadd.s32 s0, s13;
	p1 =	sne.s32 s21, $0x1  }
.Ltmp0:
0x1c: {  	s17 =	sadd.s32 s3, s13;
	s16 =	sadd.s32 s0, s14;
	(pc) =	sbr.rel @!p1 .LBB2_3-.Ltmp0, $4  }
0x1d: {  	s5 =	sadd.s32 s3, s14;
	[dreg:$0x16] =	wrdreg s15;
	s14 =	sadd.s32 $0x206000, s6  }
0x1e: {  	s15 =	sadd.s32 $0x306000, s6;
	s9 =	sadd.s32 s0, s4;
	s13 =	sadd.s32 $0x207000, s6  }
0x1f: {  	s10 =	sadd.s32 $0xFFFFFFFF, s21;
	s21 =	simm.s32 $0x1;
	[dreg:$0x15] =	wrdreg s5  }
0x20: {  	s5 =	sadd.s32 s3, s4;
	s4 =	simm.s32 $0x3;
	s3 =	simm.s32 $0x4  }
0x21: {  	[tilespmem:s2], [sflag:$0x1] =	stream.linear.gather [hbm4b:s1+s2], $0x8000, $0x38;
	[tilespmem:$0x10000] =	vst v63  }
0x22: {  	_ =	swait.ge [sflag:s21], $0x8000  }
0x23: {  	[sflag:s21] =	ssyncset.done $0x0  }
0x24: {  	[sflag:s21] =	ssyncadd.s32 $0xFFFF8000  }
0x25: {  	[hbm4b:s6+s2] =	stream.linear.scatter [tilespmem:s2], [sflag:$0x3], $0x8000, $0x38;
	[tilespmem:$0x10000] =	vst v63  }
0x26: {  	s12 =	rddreg [dreg:$0x4]  }
0x27: {  	[hbm4b:s12+s2] =	stream.linear.scatter [tilespmem:s2], [sflag:$0x3], $0x8000, $0x38;
	[tilespmem:$0x10000] =	vst v63  }
0x28: {  	s0 =	rddreg [dreg:$0x5]  }
0x29: {  	[hbm4b:s0+s2] =	stream.linear.scatter [tilespmem:s2], [sflag:$0x3], $0x8000, $0x38;
	[tilespmem:$0x10000] =	vst v63  }
0x2a: {  	s1 =	rddreg [dreg:$0x6]  }
0x2b: {  	[hbm4b:s1+s2] =	stream.linear.scatter [tilespmem:s2], [sflag:$0x3], $0x8000, $0x38;
	[tilespmem:$0x10000] =	vst v63  }
0x2c: {  	s12 =	rddreg [dreg:$0x7]  }
0x2d: {  	[tilespmem:s31], [sflag:$0x2] =	stream.linear.gather [hbm4b:s12+s2], $0x8000, $0x38;
	[tilespmem:$0x10000] =	vst v63  }
0x2e: {  	_ =	swait.ge [sflag:s11], $0x8000  }
0x2f: {  	[sflag:s11] =	ssyncset.done $0x0  }
0x30: {  	s1 =	rddreg [dreg:$0x8];
	[sflag:s11] =	ssyncadd.s32 $0xFFFF8000  }
0x31: {  	[hbm4b:s1+s2] =	stream.linear.scatter [tilespmem:s31], [sflag:$0x4], $0x8000, $0x38;
	[tilespmem:$0x10000] =	vst v63  }
0x32: {  	s12 =	rddreg [dreg:$0x9]  }
0x33: {  	[hbm4b:s12+s2] =	stream.linear.scatter [tilespmem:s31], [sflag:$0x4], $0x8000, $0x38;
	[tilespmem:$0x10000] =	vst v63  }
0x34: {  	s0 =	rddreg [dreg:$0xa]  }
0x35: {  	[hbm4b:s0+s2] =	stream.linear.scatter [tilespmem:s31], [sflag:$0x4], $0x8000, $0x38;
	[tilespmem:$0x10000] =	vst v63  }
0x36: {  	s12 =	rddreg [dreg:$0xb]  }
0x37: {  	[hbm4b:s12+s2] =	stream.linear.scatter [tilespmem:s31], [sflag:$0x4], $0x8000, $0x38;
	[tilespmem:$0x10000] =	vst v63  }
0x38: {  	_ =	swait.ge [sflag:s4], $0x8000  }
0x39: {  	[sflag:s4] =	ssyncset.done $0x0  }
0x3a: {  	[sflag:s4] =	ssyncadd.s32 $0xFFFF8000  }
0x3b: {  	_ =	swait.ge [sflag:s4], $0x8000  }
0x3c: {  	[sflag:s4] =	ssyncset.done $0x0  }
0x3d: {  	[sflag:s4] =	ssyncadd.s32 $0xFFFF8000  }
0x3e: {  	_ =	swait.ge [sflag:s4], $0x8000  }
0x3f: {  	[sflag:s4] =	ssyncset.done $0x0  }
0x40: {  	[sflag:s4] =	ssyncadd.s32 $0xFFFF8000  }
0x41: {  	_ =	swait.ge [sflag:s4], $0x8000  }
0x42: {  	[sflag:s4] =	ssyncset.done $0x0  }
0x43: {  	s12 =	rddreg [dreg:$0xc];
	[sflag:s4] =	ssyncadd.s32 $0xFFFF8000  }
0x44: {  	[tilespmem:s2], [sflag:$0x1] =	stream.linear.gather [hbm4b:s12+s2], $0x8000, $0x38;
	[tilespmem:$0x10000] =	vst v63  }
0x45: {  	_ =	swait.ge [sflag:s21], $0x8000  }
0x46: {  	[sflag:s21] =	ssyncset.done $0x0  }
0x47: {  	s1 =	rddreg [dreg:$0xd];
	[sflag:s21] =	ssyncadd.s32 $0xFFFF8000  }
0x48: {  	[hbm4b:s1+s2] =	stream.linear.scatter [tilespmem:s2], [sflag:$0x3], $0x8000, $0x38;
	[tilespmem:$0x10000] =	vst v63  }
0x49: {  	s12 =	rddreg [dreg:$0xe]  }
0x4a: {  	[hbm4b:s12+s2] =	stream.linear.scatter [tilespmem:s2], [sflag:$0x3], $0x8000, $0x38;
	[tilespmem:$0x10000] =	vst v63  }
0x4b: {  	s0 =	rddreg [dreg:$0xf]  }
0x4c: {  	[hbm4b:s0+s2] =	stream.linear.scatter [tilespmem:s2], [sflag:$0x3], $0x8000, $0x38;
	[tilespmem:$0x10000] =	vst v63  }
0x4d: {  	s12 =	rddreg [dreg:$0x10]  }
0x4e: {  	[hbm4b:s12+s2] =	stream.linear.scatter [tilespmem:s2], [sflag:$0x3], $0x8000, $0x38;
	[tilespmem:$0x10000] =	vst v63  }
0x4f: {  	_ =	swait.ge [sflag:s3], $0x8000  }
0x50: {  	[sflag:s3] =	ssyncset.done $0x0  }
0x51: {  	[sflag:s3] =	ssyncadd.s32 $0xFFFF8000  }
0x52: {  	_ =	swait.ge [sflag:s3], $0x8000  }
0x53: {  	[sflag:s3] =	ssyncset.done $0x0  }
0x54: {  	[sflag:s3] =	ssyncadd.s32 $0xFFFF8000  }
0x55: {  	_ =	swait.ge [sflag:s3], $0x8000  }
0x56: {  	[sflag:s3] =	ssyncset.done $0x0  }
0x57: {  	[sflag:s3] =	ssyncadd.s32 $0xFFFF8000  }
0x58: {  	_ =	swait.ge [sflag:s3], $0x8000  }
0x59: {  	[sflag:s3] =	ssyncset.done $0x0  }
0x5a: {  	s12 =	rddreg [dreg:$0x11];
	[sflag:s3] =	ssyncadd.s32 $0xFFFF8000  }
0x5b: {  	[tilespmem:s31], [sflag:$0x2] =	stream.linear.gather [hbm4b:s12+s2], $0x8000, $0x38;
	[tilespmem:$0x10000] =	vst v63  }
0x5c: {  	_ =	swait.ge [sflag:s11], $0x8000  }
0x5d: {  	[sflag:s11] =	ssyncset.done $0x0  }
0x5e: {  	s1 =	rddreg [dreg:$0x12];
	[sflag:s11] =	ssyncadd.s32 $0xFFFF8000  }
0x5f: {  	[hbm4b:s1+s2] =	stream.linear.scatter [tilespmem:s31], [sflag:$0x4], $0x8000, $0x38;
	[tilespmem:$0x10000] =	vst v63  }
0x60: {  	s12 =	rddreg [dreg:$0x13]  }
0x61: {  	[hbm4b:s12+s2] =	stream.linear.scatter [tilespmem:s31], [sflag:$0x4], $0x8000, $0x38;
	[tilespmem:$0x10000] =	vst v63  }
0x62: {  	_ = 	snop  }
0x63: {  	[hbm4b:s29+s2] =	stream.linear.scatter [tilespmem:s31], [sflag:$0x4], $0x8000, $0x38;
	[tilespmem:$0x10000] =	vst v63  }
0x64: {  	_ = 	snop  }
0x65: {  	[hbm4b:s30+s2] =	stream.linear.scatter [tilespmem:s31], [sflag:$0x4], $0x8000, $0x38;
	[tilespmem:$0x10000] =	vst v63  }
0x66: {  	_ =	swait.ge [sflag:s4], $0x8000  }
0x67: {  	[sflag:s4] =	ssyncset.done $0x0  }
0x68: {  	[sflag:s4] =	ssyncadd.s32 $0xFFFF8000  }
0x69: {  	_ =	swait.ge [sflag:s4], $0x8000  }
0x6a: {  	[sflag:s4] =	ssyncset.done $0x0  }
0x6b: {  	[sflag:s4] =	ssyncadd.s32 $0xFFFF8000  }
0x6c: {  	_ =	swait.ge [sflag:s4], $0x8000  }
0x6d: {  	[sflag:s4] =	ssyncset.done $0x0  }
0x6e: {  	[sflag:s4] =	ssyncadd.s32 $0xFFFF8000  }
0x6f: {  	_ =	swait.ge [sflag:s4], $0x8000  }
0x70: {  	[sflag:s4] =	ssyncset.done $0x0  }
0x71: {  	[sflag:s4] =	ssyncadd.s32 $0xFFFF8000  }
0x72: {  	[tilespmem:s2], [sflag:$0x1] =	stream.linear.gather [hbm4b:s28+s2], $0x8000, $0x38;
	[tilespmem:$0x10000] =	vst v63  }
0x73: {  	_ =	swait.ge [sflag:s21], $0x8000  }
0x74: {  	[sflag:s21] =	ssyncset.done $0x0  }
0x75: {  	[sflag:s21] =	ssyncadd.s32 $0xFFFF8000  }
0x76: {  	[hbm4b:s23+s2] =	stream.linear.scatter [tilespmem:s2], [sflag:$0x3], $0x8000, $0x38;
	[tilespmem:$0x10000] =	vst v63  }
0x77: {  	_ = 	snop  }
0x78: {  	[hbm4b:s24+s2] =	stream.linear.scatter [tilespmem:s2], [sflag:$0x3], $0x8000, $0x38;
	[tilespmem:$0x10000] =	vst v63  }
0x79: {  	_ = 	snop  }
0x7a: {  	[hbm4b:s25+s2] =	stream.linear.scatter [tilespmem:s2], [sflag:$0x3], $0x8000, $0x38;
	[tilespmem:$0x10000] =	vst v63  }
0x7b: {  	_ = 	snop  }
0x7c: {  	[hbm4b:s26+s2] =	stream.linear.scatter [tilespmem:s2], [sflag:$0x3], $0x8000, $0x38;
	[tilespmem:$0x10000] =	vst v63  }
0x7d: {  	_ =	swait.ge [sflag:s3], $0x8000  }
0x7e: {  	[sflag:s3] =	ssyncset.done $0x0  }
0x7f: {  	[sflag:s3] =	ssyncadd.s32 $0xFFFF8000  }
0x80: {  	_ =	swait.ge [sflag:s3], $0x8000  }
0x81: {  	[sflag:s3] =	ssyncset.done $0x0  }
0x82: {  	[sflag:s3] =	ssyncadd.s32 $0xFFFF8000  }
0x83: {  	_ =	swait.ge [sflag:s3], $0x8000  }
0x84: {  	[sflag:s3] =	ssyncset.done $0x0  }
0x85: {  	[sflag:s3] =	ssyncadd.s32 $0xFFFF8000  }
0x86: {  	_ =	swait.ge [sflag:s3], $0x8000  }
0x87: {  	[sflag:s3] =	ssyncset.done $0x0  }
0x88: {  	[sflag:s3] =	ssyncadd.s32 $0xFFFF8000  }
0x89: {  	[tilespmem:s31], [sflag:$0x2] =	stream.linear.gather [hbm4b:s22+s2], $0x8000, $0x38;
	[tilespmem:$0x10000] =	vst v63  }
0x8a: {  	_ =	swait.ge [sflag:s11], $0x8000  }
0x8b: {  	[sflag:s11] =	ssyncset.done $0x0  }
0x8c: {  	[sflag:s11] =	ssyncadd.s32 $0xFFFF8000  }
0x8d: {  	[hbm4b:s17+s2] =	stream.linear.scatter [tilespmem:s31], [sflag:$0x4], $0x8000, $0x38;
	[tilespmem:$0x10000] =	vst v63  }
0x8e: {  	_ = 	snop  }
0x8f: {  	[hbm4b:s18+s2] =	stream.linear.scatter [tilespmem:s31], [sflag:$0x4], $0x8000, $0x38;
	[tilespmem:$0x10000] =	vst v63  }
0x90: {  	_ = 	snop  }
0x91: {  	[hbm4b:s19+s2] =	stream.linear.scatter [tilespmem:s31], [sflag:$0x4], $0x8000, $0x38;
	[tilespmem:$0x10000] =	vst v63  }
0x92: {  	_ = 	snop  }
0x93: {  	[hbm4b:s20+s2] =	stream.linear.scatter [tilespmem:s31], [sflag:$0x4], $0x8000, $0x38;
	[tilespmem:$0x10000] =	vst v63  }
0x94: {  	_ =	swait.ge [sflag:s4], $0x8000  }
0x95: {  	[sflag:s4] =	ssyncset.done $0x0  }
0x96: {  	[sflag:s4] =	ssyncadd.s32 $0xFFFF8000  }
0x97: {  	_ =	swait.ge [sflag:s4], $0x8000  }
0x98: {  	[sflag:s4] =	ssyncset.done $0x0  }
0x99: {  	[sflag:s4] =	ssyncadd.s32 $0xFFFF8000  }
0x9a: {  	_ =	swait.ge [sflag:s4], $0x8000  }
0x9b: {  	[sflag:s4] =	ssyncset.done $0x0  }
0x9c: {  	[sflag:s4] =	ssyncadd.s32 $0xFFFF8000  }
0x9d: {  	_ =	swait.ge [sflag:s4], $0x8000  }
0x9e: {  	[sflag:s4] =	ssyncset.done $0x0  }
0x9f: {  	[sflag:s4] =	ssyncadd.s32 $0xFFFF8000  }
0xa0: {  	[tilespmem:s2], [sflag:$0x1] =	stream.linear.gather [hbm4b:s16+s2], $0x8000, $0x38;
	[tilespmem:$0x10000] =	vst v63  }
0xa1: {  	_ =	swait.ge [sflag:s21], $0x8000  }
0xa2: {  	[sflag:s21] =	ssyncset.done $0x0  }
0xa3: {  	s1 =	rddreg [dreg:$0x15];
	[sflag:s21] =	ssyncadd.s32 $0xFFFF8000  }
0xa4: {  	[hbm4b:s1+s2] =	stream.linear.scatter [tilespmem:s2], [sflag:$0x3], $0x8000, $0x38;
	[tilespmem:$0x10000] =	vst v63  }
0xa5: {  	s12 =	rddreg [dreg:$0x16]  }
0xa6: {  	[hbm4b:s12+s2] =	stream.linear.scatter [tilespmem:s2], [sflag:$0x3], $0x8000, $0x38;
	[tilespmem:$0x10000] =	vst v63  }
0xa7: {  	_ = 	snop  }
0xa8: {  	[hbm4b:s14+s2] =	stream.linear.scatter [tilespmem:s2], [sflag:$0x3], $0x8000, $0x38;
	[tilespmem:$0x10000] =	vst v63  }
0xa9: {  	_ = 	snop  }
0xaa: {  	[hbm4b:s15+s2] =	stream.linear.scatter [tilespmem:s2], [sflag:$0x3], $0x8000, $0x38;
	[tilespmem:$0x10000] =	vst v63  }
0xab: {  	_ =	swait.ge [sflag:s3], $0x8000  }
0xac: {  	[sflag:s3] =	ssyncset.done $0x0  }
0xad: {  	[sflag:s3] =	ssyncadd.s32 $0xFFFF8000  }
0xae: {  	_ =	swait.ge [sflag:s3], $0x8000  }
0xaf: {  	[sflag:s3] =	ssyncset.done $0x0  }
0xb0: {  	[sflag:s3] =	ssyncadd.s32 $0xFFFF8000  }
0xb1: {  	_ =	swait.ge [sflag:s3], $0x8000  }
0xb2: {  	[sflag:s3] =	ssyncset.done $0x0  }
0xb3: {  	[sflag:s3] =	ssyncadd.s32 $0xFFFF8000  }
0xb4: {  	_ =	swait.ge [sflag:s3], $0x8000  }
0xb5: {  	[sflag:s3] =	ssyncset.done $0x0  }
0xb6: {  	[sflag:s3] =	ssyncadd.s32 $0xFFFF8000  }
0xb7: {  	[tilespmem:s31], [sflag:$0x2] =	stream.linear.gather [hbm4b:s9+s2], $0x8000, $0x38;
	[tilespmem:$0x10000] =	vst v63  }
0xb8: {  	_ =	swait.ge [sflag:s11], $0x8000  }
0xb9: {  	[sflag:s11] =	ssyncset.done $0x0  }
0xba: {  	[sflag:s11] =	ssyncadd.s32 $0xFFFF8000  }
0xbb: {  	[hbm4b:s5+s2] =	stream.linear.scatter [tilespmem:s31], [sflag:$0x4], $0x8000, $0x38;
	[tilespmem:$0x10000] =	vst v63  }
0xbc: {  	_ = 	snop  }
0xbd: {  	[hbm4b:s7+s2] =	stream.linear.scatter [tilespmem:s31], [sflag:$0x4], $0x8000, $0x38;
	[tilespmem:$0x10000] =	vst v63  }
0xbe: {  	_ = 	snop  }
0xbf: {  	[hbm4b:s13+s2] =	stream.linear.scatter [tilespmem:s31], [sflag:$0x4], $0x8000, $0x38;
	[tilespmem:$0x10000] =	vst v63  }
0xc0: {  	_ = 	snop  }
0xc1: {  	[hbm4b:s8+s2] =	stream.linear.scatter [tilespmem:s31], [sflag:$0x4], $0x8000, $0x38;
	[tilespmem:$0x10000] =	vst v63  }
0xc2: {  	_ =	swait.ge [sflag:s4], $0x8000  }
0xc3: {  	[sflag:s4] =	ssyncset.done $0x0  }
0xc4: {  	[sflag:s4] =	ssyncadd.s32 $0xFFFF8000  }
0xc5: {  	_ =	swait.ge [sflag:s4], $0x8000  }
0xc6: {  	[sflag:s4] =	ssyncset.done $0x0  }
0xc7: {  	[sflag:s4] =	ssyncadd.s32 $0xFFFF8000  }
0xc8: {  	_ =	swait.ge [sflag:s4], $0x8000  }
0xc9: {  	[sflag:s4] =	ssyncset.done $0x0  }
0xca: {  	[sflag:s4] =	ssyncadd.s32 $0xFFFF8000  }
0xcb: {  	_ =	swait.ge [sflag:s4], $0x8000  }
0xcc: {  	[sflag:s4] =	ssyncset.done $0x0  }
0xcd: {  	[sflag:s4] =	ssyncadd.s32 $0xFFFF8000  }
0xce: {  	_ =	swait.ge [sflag:s3], $0x8000  }
0xcf: {  	[sflag:s3] =	ssyncset.done $0x0  }
0xd0: {  	[sflag:s3] =	ssyncadd.s32 $0xFFFF8000  }
0xd1: {  	_ =	swait.ge [sflag:s3], $0x8000  }
0xd2: {  	[sflag:s3] =	ssyncset.done $0x0  }
0xd3: {  	p1 =	sne.s32 s10, $0x1;
	[sflag:s3] =	ssyncadd.s32 $0xFFFF8000  }
.Ltmp1:
0xd4: {  	_ =	swait.ge [sflag:s3], $0x8000;
	(pc) =	sbr.rel @!p1 .LBB2_3-.Ltmp1, $4  }
0xd5: {  	[sflag:s3] =	ssyncset.done $0x0  }
0xd6: {  	[sflag:s3] =	ssyncadd.s32 $0xFFFF8000  }
0xd7: {  	p0 =	por $0x1, $0x1;
	_ =	swait.ge [sflag:s3], $0x8000;
	[dreg:$0x14] =	wrdreg s6  }
0xd8: {  	s0 =	sadd.s32 $0xFFFFFFFF, s10;
	s1 =	rddreg [dreg:$0x3];
	[sflag:s3] =	ssyncset.done $0x0  }
.LBB2_2:
0xd9: {  	[sflag:s3] =	ssyncadd.s32 $0xFFFF8000  }
0xda: {  	s11 =	smov.u32 s30;
	s30 =	smov.u32 s29;
	s29 =	smov.u32 s28  }
0xdb: {  	[tilespmem:s2], [sflag:$0x1] =	stream.linear.gather [hbm4b:s1+s2], $0x8000, $0x38;
	[tilespmem:$0x10000] =	vst v63  }
0xdc: {  	s28 =	smov.u32 s26;
	s26 =	smov.u32 s25;
	_ =	swait.ge [sflag:s21], $0x8000  }
0xdd: {  	s25 =	smov.u32 s24;
	s24 =	smov.u32 s23;
	[sflag:s21] =	ssyncset.done $0x0  }
0xde: {  	s23 =	smov.u32 s22;
	s22 =	smov.u32 s20;
	[sflag:s21] =	ssyncadd.s32 $0xFFFF8000  }
0xdf: {  	[hbm4b:s6+s2] =	stream.linear.scatter [tilespmem:s2], [sflag:$0x3], $0x8000, $0x38;
	[tilespmem:$0x10000] =	vst v63  }
0xe0: {  	s20 =	smov.u32 s19;
	s19 =	smov.u32 s18;
	s12 =	rddreg [dreg:$0x4]  }
0xe1: {  	[hbm4b:s12+s2] =	stream.linear.scatter [tilespmem:s2], [sflag:$0x3], $0x8000, $0x38;
	[tilespmem:$0x10000] =	vst v63  }
0xe2: {  	s18 =	smov.u32 s17;
	s17 =	smov.u32 s16;
	s16 =	rddreg [dreg:$0x5]  }
0xe3: {  	[hbm4b:s16+s2] =	stream.linear.scatter [tilespmem:s2], [sflag:$0x3], $0x8000, $0x38;
	[tilespmem:$0x10000] =	vst v63  }
0xe4: {  	s12 =	rddreg [dreg:$0x6]  }
0xe5: {  	[hbm4b:s12+s2] =	stream.linear.scatter [tilespmem:s2], [sflag:$0x3], $0x8000, $0x38;
	[tilespmem:$0x10000] =	vst v63  }
0xe6: {  	s21 =	simm.s32 $0x2;
	s16 =	rddreg [dreg:$0x7]  }
0xe7: {  	[tilespmem:s31], [sflag:$0x2] =	stream.linear.gather [hbm4b:s16+s2], $0x8000, $0x38;
	[tilespmem:$0x10000] =	vst v63  }
0xe8: {  	_ =	swait.ge [sflag:s21], $0x8000  }
0xe9: {  	[sflag:s21] =	ssyncset.done $0x0  }
0xea: {  	s6 =	smov.u32 s5;
	s5 =	rddreg [dreg:$0x8];
	[sflag:s21] =	ssyncadd.s32 $0xFFFF8000  }
0xeb: {  	[hbm4b:s5+s2] =	stream.linear.scatter [tilespmem:s31], [sflag:$0x4], $0x8000, $0x38;
	[tilespmem:$0x10000] =	vst v63  }
0xec: {  	s12 =	rddreg [dreg:$0x9]  }
0xed: {  	[hbm4b:s12+s2] =	stream.linear.scatter [tilespmem:s31], [sflag:$0x4], $0x8000, $0x38;
	[tilespmem:$0x10000] =	vst v63  }
0xee: {  	s16 =	rddreg [dreg:$0xa]  }
0xef: {  	[hbm4b:s16+s2] =	stream.linear.scatter [tilespmem:s31], [sflag:$0x4], $0x8000, $0x38;
	[tilespmem:$0x10000] =	vst v63  }
0xf0: {  	s12 =	rddreg [dreg:$0xb]  }
0xf1: {  	[hbm4b:s12+s2] =	stream.linear.scatter [tilespmem:s31], [sflag:$0x4], $0x8000, $0x38;
	[tilespmem:$0x10000] =	vst v63  }
0xf2: {  	_ =	swait.ge [sflag:s4], $0x8000  }
0xf3: {  	[sflag:s4] =	ssyncset.done $0x0  }
0xf4: {  	[sflag:s4] =	ssyncadd.s32 $0xFFFF8000  }
0xf5: {  	_ =	swait.ge [sflag:s4], $0x8000  }
0xf6: {  	[sflag:s4] =	ssyncset.done $0x0  }
0xf7: {  	[sflag:s4] =	ssyncadd.s32 $0xFFFF8000  }
0xf8: {  	_ =	swait.ge [sflag:s4], $0x8000  }
0xf9: {  	[sflag:s4] =	ssyncset.done $0x0  }
0xfa: {  	[sflag:s4] =	ssyncadd.s32 $0xFFFF8000  }
0xfb: {  	_ =	swait.ge [sflag:s4], $0x8000  }
0xfc: {  	[sflag:s4] =	ssyncset.done $0x0  }
0xfd: {  	s10 =	simm.s32 $0x1;
	s16 =	rddreg [dreg:$0xc];
	[sflag:s4] =	ssyncadd.s32 $0xFFFF8000  }
0xfe: {  	[tilespmem:s2], [sflag:$0x1] =	stream.linear.gather [hbm4b:s16+s2], $0x8000, $0x38;
	[tilespmem:$0x10000] =	vst v63  }
0xff: {  	_ =	swait.ge [sflag:s10], $0x8000  }
0x100: {  	[sflag:s10] =	ssyncset.done $0x0  }
0x101: {  	s5 =	rddreg [dreg:$0xd];
	[sflag:s10] =	ssyncadd.s32 $0xFFFF8000  }
0x102: {  	[hbm4b:s5+s2] =	stream.linear.scatter [tilespmem:s2], [sflag:$0x3], $0x8000, $0x38;
	[tilespmem:$0x10000] =	vst v63  }
0x103: {  	s10 =	rddreg [dreg:$0xe]  }
0x104: {  	[hbm4b:s10+s2] =	stream.linear.scatter [tilespmem:s2], [sflag:$0x3], $0x8000, $0x38;
	[tilespmem:$0x10000] =	vst v63  }
0x105: {  	s12 =	rddreg [dreg:$0xf]  }
0x106: {  	[hbm4b:s12+s2] =	stream.linear.scatter [tilespmem:s2], [sflag:$0x3], $0x8000, $0x38;
	[tilespmem:$0x10000] =	vst v63  }
0x107: {  	s16 =	rddreg [dreg:$0x10]  }
0x108: {  	[hbm4b:s16+s2] =	stream.linear.scatter [tilespmem:s2], [sflag:$0x3], $0x8000, $0x38;
	[tilespmem:$0x10000] =	vst v63  }
0x109: {  	_ =	swait.ge [sflag:s3], $0x8000  }
0x10a: {  	[sflag:s3] =	ssyncset.done $0x0  }
0x10b: {  	[sflag:s3] =	ssyncadd.s32 $0xFFFF8000  }
0x10c: {  	_ =	swait.ge [sflag:s3], $0x8000  }
0x10d: {  	[sflag:s3] =	ssyncset.done $0x0  }
0x10e: {  	[sflag:s3] =	ssyncadd.s32 $0xFFFF8000  }
0x10f: {  	_ =	swait.ge [sflag:s3], $0x8000  }
0x110: {  	[sflag:s3] =	ssyncset.done $0x0  }
0x111: {  	[sflag:s3] =	ssyncadd.s32 $0xFFFF8000  }
0x112: {  	_ =	swait.ge [sflag:s3], $0x8000  }
0x113: {  	[sflag:s3] =	ssyncset.done $0x0  }
0x114: {  	s10 =	rddreg [dreg:$0x11];
	[sflag:s3] =	ssyncadd.s32 $0xFFFF8000  }
0x115: {  	[tilespmem:s31], [sflag:$0x2] =	stream.linear.gather [hbm4b:s10+s2], $0x8000, $0x38;
	[tilespmem:$0x10000] =	vst v63  }
0x116: {  	_ =	swait.ge [sflag:s21], $0x8000  }
0x117: {  	s12 =	rddreg [dreg:$0x12];
	[sflag:s21] =	ssyncset.done $0x0  }
0x118: {  	s16 =	rddreg [dreg:$0x13];
	[sflag:s21] =	ssyncadd.s32 $0xFFFF8000  }
0x119: {  	[hbm4b:s12+s2] =	stream.linear.scatter [tilespmem:s31], [sflag:$0x4], $0x8000, $0x38;
	[tilespmem:$0x10000] =	vst v63  }
0x11a: {  	s5 =	smov.u32 s9;
	s9 =	rddreg [dreg:$0x15]  }
0x11b: {  	[hbm4b:s16+s2] =	stream.linear.scatter [tilespmem:s31], [sflag:$0x4], $0x8000, $0x38;
	[tilespmem:$0x10000] =	vst v63  }
0x11c: {  	s16 =	smov.u32 s17;
	s17 =	smov.u32 s18;
	s18 =	smov.u32 s19  }
0x11d: {  	s19 =	smov.u32 s20;
	s20 =	smov.u32 s22;
	s22 =	smov.u32 s23  }
0x11e: {  	s23 =	smov.u32 s24;
	s24 =	smov.u32 s25;
	s25 =	smov.u32 s26  }
0x11f: {  	s26 =	smov.u32 s28;
	s28 =	smov.u32 s29;
	s29 =	smov.u32 s30  }
0x120: {  	[hbm4b:s29+s2] =	stream.linear.scatter [tilespmem:s31], [sflag:$0x4], $0x8000, $0x38;
	[tilespmem:$0x10000] =	vst v63  }
0x121: {  	s1 =	smov.u32 s6;
	s6 =	rddreg [dreg:$0x14];
	s30 =	smov.u32 s11  }
0x122: {  	[hbm4b:s30+s2] =	stream.linear.scatter [tilespmem:s31], [sflag:$0x4], $0x8000, $0x38;
	[tilespmem:$0x10000] =	vst v63  }
0x123: {  	s12 =	rddreg [dreg:$0x16];
	_ =	swait.ge [sflag:s4], $0x8000  }
0x124: {  	[sflag:s4] =	ssyncset.done $0x0  }
0x125: {  	[sflag:s4] =	ssyncadd.s32 $0xFFFF8000  }
0x126: {  	_ =	swait.ge [sflag:s4], $0x8000  }
0x127: {  	[sflag:s4] =	ssyncset.done $0x0  }
0x128: {  	[sflag:s4] =	ssyncadd.s32 $0xFFFF8000  }
0x129: {  	_ =	swait.ge [sflag:s4], $0x8000  }
0x12a: {  	[sflag:s4] =	ssyncset.done $0x0  }
0x12b: {  	[sflag:s4] =	ssyncadd.s32 $0xFFFF8000  }
0x12c: {  	_ =	swait.ge [sflag:s4], $0x8000  }
0x12d: {  	[sflag:s4] =	ssyncset.done $0x0  }
0x12e: {  	s21 =	simm.s32 $0x1;
	[sflag:s4] =	ssyncadd.s32 $0xFFFF8000  }
0x12f: {  	[tilespmem:s2], [sflag:$0x1] =	stream.linear.gather [hbm4b:s28+s2], $0x8000, $0x38;
	[tilespmem:$0x10000] =	vst v63  }
0x130: {  	_ =	swait.ge [sflag:s21], $0x8000  }
0x131: {  	[sflag:s21] =	ssyncset.done $0x0  }
0x132: {  	[sflag:s21] =	ssyncadd.s32 $0xFFFF8000  }
0x133: {  	[hbm4b:s23+s2] =	stream.linear.scatter [tilespmem:s2], [sflag:$0x3], $0x8000, $0x38;
	[tilespmem:$0x10000] =	vst v63  }
0x134: {  	_ = 	snop  }
0x135: {  	[hbm4b:s24+s2] =	stream.linear.scatter [tilespmem:s2], [sflag:$0x3], $0x8000, $0x38;
	[tilespmem:$0x10000] =	vst v63  }
0x136: {  	_ = 	snop  }
0x137: {  	[hbm4b:s25+s2] =	stream.linear.scatter [tilespmem:s2], [sflag:$0x3], $0x8000, $0x38;
	[tilespmem:$0x10000] =	vst v63  }
0x138: {  	_ = 	snop  }
0x139: {  	[hbm4b:s26+s2] =	stream.linear.scatter [tilespmem:s2], [sflag:$0x3], $0x8000, $0x38;
	[tilespmem:$0x10000] =	vst v63  }
0x13a: {  	_ =	swait.ge [sflag:s3], $0x8000  }
0x13b: {  	[sflag:s3] =	ssyncset.done $0x0  }
0x13c: {  	[sflag:s3] =	ssyncadd.s32 $0xFFFF8000  }
0x13d: {  	_ =	swait.ge [sflag:s3], $0x8000  }
0x13e: {  	[sflag:s3] =	ssyncset.done $0x0  }
0x13f: {  	[sflag:s3] =	ssyncadd.s32 $0xFFFF8000  }
0x140: {  	_ =	swait.ge [sflag:s3], $0x8000  }
0x141: {  	[sflag:s3] =	ssyncset.done $0x0  }
0x142: {  	[sflag:s3] =	ssyncadd.s32 $0xFFFF8000  }
0x143: {  	_ =	swait.ge [sflag:s3], $0x8000  }
0x144: {  	[sflag:s3] =	ssyncset.done $0x0  }
0x145: {  	s11 =	simm.s32 $0x2;
	[sflag:s3] =	ssyncadd.s32 $0xFFFF8000  }
0x146: {  	[tilespmem:s31], [sflag:$0x2] =	stream.linear.gather [hbm4b:s22+s2], $0x8000, $0x38;
	[tilespmem:$0x10000] =	vst v63  }
0x147: {  	_ =	swait.ge [sflag:s11], $0x8000  }
0x148: {  	[sflag:s11] =	ssyncset.done $0x0  }
0x149: {  	[sflag:s11] =	ssyncadd.s32 $0xFFFF8000  }
0x14a: {  	[hbm4b:s17+s2] =	stream.linear.scatter [tilespmem:s31], [sflag:$0x4], $0x8000, $0x38;
	[tilespmem:$0x10000] =	vst v63  }
0x14b: {  	_ = 	snop  }
0x14c: {  	[hbm4b:s18+s2] =	stream.linear.scatter [tilespmem:s31], [sflag:$0x4], $0x8000, $0x38;
	[tilespmem:$0x10000] =	vst v63  }
0x14d: {  	_ = 	snop  }
0x14e: {  	[hbm4b:s19+s2] =	stream.linear.scatter [tilespmem:s31], [sflag:$0x4], $0x8000, $0x38;
	[tilespmem:$0x10000] =	vst v63  }
0x14f: {  	_ = 	snop  }
0x150: {  	[hbm4b:s20+s2] =	stream.linear.scatter [tilespmem:s31], [sflag:$0x4], $0x8000, $0x38;
	[tilespmem:$0x10000] =	vst v63  }
0x151: {  	_ =	swait.ge [sflag:s4], $0x8000  }
0x152: {  	[sflag:s4] =	ssyncset.done $0x0  }
0x153: {  	[sflag:s4] =	ssyncadd.s32 $0xFFFF8000  }
0x154: {  	_ =	swait.ge [sflag:s4], $0x8000  }
0x155: {  	[sflag:s4] =	ssyncset.done $0x0  }
0x156: {  	[sflag:s4] =	ssyncadd.s32 $0xFFFF8000  }
0x157: {  	_ =	swait.ge [sflag:s4], $0x8000  }
0x158: {  	[sflag:s4] =	ssyncset.done $0x0  }
0x159: {  	[sflag:s4] =	ssyncadd.s32 $0xFFFF8000  }
0x15a: {  	_ =	swait.ge [sflag:s4], $0x8000  }
0x15b: {  	[sflag:s4] =	ssyncset.done $0x0  }
0x15c: {  	[sflag:s4] =	ssyncadd.s32 $0xFFFF8000  }
0x15d: {  	[tilespmem:s2], [sflag:$0x1] =	stream.linear.gather [hbm4b:s16+s2], $0x8000, $0x38;
	[tilespmem:$0x10000] =	vst v63  }
0x15e: {  	_ =	swait.ge [sflag:s21], $0x8000  }
0x15f: {  	[sflag:s21] =	ssyncset.done $0x0  }
0x160: {  	[sflag:s21] =	ssyncadd.s32 $0xFFFF8000  }
0x161: {  	[hbm4b:s9+s2] =	stream.linear.scatter [tilespmem:s2], [sflag:$0x3], $0x8000, $0x38;
	[tilespmem:$0x10000] =	vst v63  }
0x162: {  	_ = 	snop  }
0x163: {  	[hbm4b:s12+s2] =	stream.linear.scatter [tilespmem:s2], [sflag:$0x3], $0x8000, $0x38;
	[tilespmem:$0x10000] =	vst v63  }
0x164: {  	_ = 	snop  }
0x165: {  	[hbm4b:s14+s2] =	stream.linear.scatter [tilespmem:s2], [sflag:$0x3], $0x8000, $0x38;
	[tilespmem:$0x10000] =	vst v63  }
0x166: {  	_ = 	snop  }
0x167: {  	[hbm4b:s15+s2] =	stream.linear.scatter [tilespmem:s2], [sflag:$0x3], $0x8000, $0x38;
	[tilespmem:$0x10000] =	vst v63  }
0x168: {  	_ =	swait.ge [sflag:s3], $0x8000  }
0x169: {  	[sflag:s3] =	ssyncset.done $0x0  }
0x16a: {  	[sflag:s3] =	ssyncadd.s32 $0xFFFF8000  }
0x16b: {  	_ =	swait.ge [sflag:s3], $0x8000  }
0x16c: {  	[sflag:s3] =	ssyncset.done $0x0  }
0x16d: {  	[sflag:s3] =	ssyncadd.s32 $0xFFFF8000  }
0x16e: {  	_ =	swait.ge [sflag:s3], $0x8000  }
0x16f: {  	[sflag:s3] =	ssyncset.done $0x0  }
0x170: {  	[sflag:s3] =	ssyncadd.s32 $0xFFFF8000  }
0x171: {  	_ =	swait.ge [sflag:s3], $0x8000  }
0x172: {  	[sflag:s3] =	ssyncset.done $0x0  }
0x173: {  	[sflag:s3] =	ssyncadd.s32 $0xFFFF8000  }
0x174: {  	[tilespmem:s31], [sflag:$0x2] =	stream.linear.gather [hbm4b:s5+s2], $0x8000, $0x38;
	[tilespmem:$0x10000] =	vst v63  }
0x175: {  	_ =	swait.ge [sflag:s11], $0x8000  }
0x176: {  	[sflag:s11] =	ssyncset.done $0x0  }
0x177: {  	[sflag:s11] =	ssyncadd.s32 $0xFFFF8000  }
0x178: {  	[hbm4b:s1+s2] =	stream.linear.scatter [tilespmem:s31], [sflag:$0x4], $0x8000, $0x38;
	[tilespmem:$0x10000] =	vst v63  }
0x179: {  	s10 =	smov.u32 s7  }
0x17a: {  	[hbm4b:s10+s2] =	stream.linear.scatter [tilespmem:s31], [sflag:$0x4], $0x8000, $0x38;
	[tilespmem:$0x10000] =	vst v63  }
0x17b: {  	_ = 	snop  }
0x17c: {  	[hbm4b:s13+s2] =	stream.linear.scatter [tilespmem:s31], [sflag:$0x4], $0x8000, $0x38;
	[tilespmem:$0x10000] =	vst v63  }
0x17d: {  	_ = 	snop  }
0x17e: {  	[hbm4b:s8+s2] =	stream.linear.scatter [tilespmem:s31], [sflag:$0x4], $0x8000, $0x38;
	[tilespmem:$0x10000] =	vst v63  }
0x17f: {  	_ =	swait.ge [sflag:s4], $0x8000  }
0x180: {  	[sflag:s4] =	ssyncset.done $0x0  }
0x181: {  	[sflag:s4] =	ssyncadd.s32 $0xFFFF8000  }
0x182: {  	_ =	swait.ge [sflag:s4], $0x8000  }
0x183: {  	[sflag:s4] =	ssyncset.done $0x0  }
0x184: {  	[sflag:s4] =	ssyncadd.s32 $0xFFFF8000  }
0x185: {  	_ =	swait.ge [sflag:s4], $0x8000  }
0x186: {  	[sflag:s4] =	ssyncset.done $0x0  }
0x187: {  	[sflag:s4] =	ssyncadd.s32 $0xFFFF8000  }
0x188: {  	_ =	swait.ge [sflag:s4], $0x8000  }
0x189: {  	[sflag:s4] =	ssyncset.done $0x0  }
0x18a: {  	[sflag:s4] =	ssyncadd.s32 $0xFFFF8000  }
0x18b: {  	_ =	swait.ge [sflag:s3], $0x8000  }
0x18c: {  	[sflag:s3] =	ssyncset.done $0x0  }
0x18d: {  	[sflag:s3] =	ssyncadd.s32 $0xFFFF8000  }
0x18e: {  	_ =	swait.ge [sflag:s3], $0x8000  }
0x18f: {  	[sflag:s3] =	ssyncset.done $0x0  }
0x190: {  	p1 =	sne.s32 s0, $0x1;
	[sflag:s3] =	ssyncadd.s32 $0xFFFF8000  }
.Ltmp2:
0x191: {  	_ =	swait.ge [sflag:s3], $0x8000;
	(pc) =	sbr.rel @p1 .LBB2_2-.Ltmp2, $4  }
0x192: {  	[sflag:s3] =	ssyncset.done $0x0  }
0x193: {  	s0 =	sadd.s32 $0xFFFFFFFF, s0;
	[sflag:s3] =	ssyncadd.s32 $0xFFFF8000  }
0x194: {  	s7 =	smov.u32 s10;
	s9 =	smov.u32 s5;
	_ =	swait.ge [sflag:s3], $0x8000  }
0x195: {  	s5 =	smov.u32 s1;
	s1 =	rddreg [dreg:$0x3];
	[sflag:s3] =	ssyncset.done $0x0  }
.LBB2_3:
0x196: {  	[sflag:s3] =	ssyncadd.s32 @p0 $0xFFFF8000  }
0x197: {  	[tilespmem:s2], [sflag:$0x1] =	stream.linear.gather [hbm4b:s1+s2], $0x8000, $0x38;
	[tilespmem:$0x10000] =	vst v63  }
0x198: {  	_ =	swait.ge [sflag:s21], $0x8000  }
0x199: {  	[sflag:s21] =	ssyncset.done $0x0  }
0x19a: {  	[sflag:s21] =	ssyncadd.s32 $0xFFFF8000  }
0x19b: {  	[hbm4b:s6+s2] =	stream.linear.scatter [tilespmem:s2], [sflag:$0x3], $0x8000, $0x38;
	[tilespmem:$0x10000] =	vst v63  }
0x19c: {  	s0 =	rddreg [dreg:$0x4]  }
0x19d: {  	[hbm4b:s0+s2] =	stream.linear.scatter [tilespmem:s2], [sflag:$0x3], $0x8000, $0x38;
	[tilespmem:$0x10000] =	vst v63  }
0x19e: {  	s10 =	rddreg [dreg:$0x5]  }
0x19f: {  	[hbm4b:s10+s2] =	stream.linear.scatter [tilespmem:s2], [sflag:$0x3], $0x8000, $0x38;
	[tilespmem:$0x10000] =	vst v63  }
0x1a0: {  	s12 =	rddreg [dreg:$0x6]  }
0x1a1: {  	[hbm4b:s12+s2] =	stream.linear.scatter [tilespmem:s2], [sflag:$0x3], $0x8000, $0x38;
	[tilespmem:$0x10000] =	vst v63  }
0x1a2: {  	s6 =	rddreg [dreg:$0x7]  }
0x1a3: {  	[tilespmem:s31], [sflag:$0x2] =	stream.linear.gather [hbm4b:s6+s2], $0x8000, $0x38;
	[tilespmem:$0x10000] =	vst v63  }
0x1a4: {  	_ =	swait.ge [sflag:s11], $0x8000  }
0x1a5: {  	[sflag:s11] =	ssyncset.done $0x0  }
0x1a6: {  	s10 =	rddreg [dreg:$0x8];
	[sflag:s11] =	ssyncadd.s32 $0xFFFF8000  }
0x1a7: {  	[hbm4b:s10+s2] =	stream.linear.scatter [tilespmem:s31], [sflag:$0x4], $0x8000, $0x38;
	[tilespmem:$0x10000] =	vst v63  }
0x1a8: {  	s12 =	rddreg [dreg:$0x9]  }
0x1a9: {  	[hbm4b:s12+s2] =	stream.linear.scatter [tilespmem:s31], [sflag:$0x4], $0x8000, $0x38;
	[tilespmem:$0x10000] =	vst v63  }
0x1aa: {  	s6 =	rddreg [dreg:$0xa]  }
0x1ab: {  	[hbm4b:s6+s2] =	stream.linear.scatter [tilespmem:s31], [sflag:$0x4], $0x8000, $0x38;
	[tilespmem:$0x10000] =	vst v63  }
0x1ac: {  	s10 =	rddreg [dreg:$0xb]  }
0x1ad: {  	[hbm4b:s10+s2] =	stream.linear.scatter [tilespmem:s31], [sflag:$0x4], $0x8000, $0x38;
	[tilespmem:$0x10000] =	vst v63  }
0x1ae: {  	_ =	swait.ge [sflag:s4], $0x8000  }
0x1af: {  	[sflag:s4] =	ssyncset.done $0x0  }
0x1b0: {  	[sflag:s4] =	ssyncadd.s32 $0xFFFF8000  }
0x1b1: {  	_ =	swait.ge [sflag:s4], $0x8000  }
0x1b2: {  	[sflag:s4] =	ssyncset.done $0x0  }
0x1b3: {  	[sflag:s4] =	ssyncadd.s32 $0xFFFF8000  }
0x1b4: {  	_ =	swait.ge [sflag:s4], $0x8000  }
0x1b5: {  	[sflag:s4] =	ssyncset.done $0x0  }
0x1b6: {  	[sflag:s4] =	ssyncadd.s32 $0xFFFF8000  }
0x1b7: {  	_ =	swait.ge [sflag:s4], $0x8000  }
0x1b8: {  	[sflag:s4] =	ssyncset.done $0x0  }
0x1b9: {  	s12 =	rddreg [dreg:$0xc];
	[sflag:s4] =	ssyncadd.s32 $0xFFFF8000  }
0x1ba: {  	[tilespmem:s2], [sflag:$0x1] =	stream.linear.gather [hbm4b:s12+s2], $0x8000, $0x38;
	[tilespmem:$0x10000] =	vst v63  }
0x1bb: {  	_ =	swait.ge [sflag:s21], $0x8000  }
0x1bc: {  	[sflag:s21] =	ssyncset.done $0x0  }
0x1bd: {  	s1 =	rddreg [dreg:$0xd];
	[sflag:s21] =	ssyncadd.s32 $0xFFFF8000  }
0x1be: {  	[hbm4b:s1+s2] =	stream.linear.scatter [tilespmem:s2], [sflag:$0x3], $0x8000, $0x38;
	[tilespmem:$0x10000] =	vst v63  }
0x1bf: {  	s6 =	rddreg [dreg:$0xe]  }
0x1c0: {  	[hbm4b:s6+s2] =	stream.linear.scatter [tilespmem:s2], [sflag:$0x3], $0x8000, $0x38;
	[tilespmem:$0x10000] =	vst v63  }
0x1c1: {  	s10 =	rddreg [dreg:$0xf]  }
0x1c2: {  	[hbm4b:s10+s2] =	stream.linear.scatter [tilespmem:s2], [sflag:$0x3], $0x8000, $0x38;
	[tilespmem:$0x10000] =	vst v63  }
0x1c3: {  	s12 =	rddreg [dreg:$0x10]  }
0x1c4: {  	[hbm4b:s12+s2] =	stream.linear.scatter [tilespmem:s2], [sflag:$0x3], $0x8000, $0x38;
	[tilespmem:$0x10000] =	vst v63  }
0x1c5: {  	_ =	swait.ge [sflag:s3], $0x8000  }
0x1c6: {  	[sflag:s3] =	ssyncset.done $0x0  }
0x1c7: {  	[sflag:s3] =	ssyncadd.s32 $0xFFFF8000  }
0x1c8: {  	_ =	swait.ge [sflag:s3], $0x8000  }
0x1c9: {  	[sflag:s3] =	ssyncset.done $0x0  }
0x1ca: {  	[sflag:s3] =	ssyncadd.s32 $0xFFFF8000  }
0x1cb: {  	_ =	swait.ge [sflag:s3], $0x8000  }
0x1cc: {  	[sflag:s3] =	ssyncset.done $0x0  }
0x1cd: {  	[sflag:s3] =	ssyncadd.s32 $0xFFFF8000  }
0x1ce: {  	_ =	swait.ge [sflag:s3], $0x8000  }
0x1cf: {  	[sflag:s3] =	ssyncset.done $0x0  }
0x1d0: {  	s6 =	rddreg [dreg:$0x11];
	[sflag:s3] =	ssyncadd.s32 $0xFFFF8000  }
0x1d1: {  	[tilespmem:s31], [sflag:$0x2] =	stream.linear.gather [hbm4b:s6+s2], $0x8000, $0x38;
	[tilespmem:$0x10000] =	vst v63  }
0x1d2: {  	_ =	swait.ge [sflag:s11], $0x8000  }
0x1d3: {  	[sflag:s11] =	ssyncset.done $0x0  }
0x1d4: {  	s10 =	rddreg [dreg:$0x12];
	[sflag:s11] =	ssyncadd.s32 $0xFFFF8000  }
0x1d5: {  	[hbm4b:s10+s2] =	stream.linear.scatter [tilespmem:s31], [sflag:$0x4], $0x8000, $0x38;
	[tilespmem:$0x10000] =	vst v63  }
0x1d6: {  	s12 =	rddreg [dreg:$0x13]  }
0x1d7: {  	[hbm4b:s12+s2] =	stream.linear.scatter [tilespmem:s31], [sflag:$0x4], $0x8000, $0x38;
	[tilespmem:$0x10000] =	vst v63  }
0x1d8: {  	_ = 	snop  }
0x1d9: {  	[hbm4b:s29+s2] =	stream.linear.scatter [tilespmem:s31], [sflag:$0x4], $0x8000, $0x38;
	[tilespmem:$0x10000] =	vst v63  }
0x1da: {  	_ = 	snop  }
0x1db: {  	[hbm4b:s30+s2] =	stream.linear.scatter [tilespmem:s31], [sflag:$0x4], $0x8000, $0x38;
	[tilespmem:$0x10000] =	vst v63  }
0x1dc: {  	_ =	swait.ge [sflag:s4], $0x8000  }
0x1dd: {  	[sflag:s4] =	ssyncset.done $0x0  }
0x1de: {  	[sflag:s4] =	ssyncadd.s32 $0xFFFF8000  }
0x1df: {  	_ =	swait.ge [sflag:s4], $0x8000  }
0x1e0: {  	[sflag:s4] =	ssyncset.done $0x0  }
0x1e1: {  	[sflag:s4] =	ssyncadd.s32 $0xFFFF8000  }
0x1e2: {  	_ =	swait.ge [sflag:s4], $0x8000  }
0x1e3: {  	[sflag:s4] =	ssyncset.done $0x0  }
0x1e4: {  	[sflag:s4] =	ssyncadd.s32 $0xFFFF8000  }
0x1e5: {  	_ =	swait.ge [sflag:s4], $0x8000  }
0x1e6: {  	[sflag:s4] =	ssyncset.done $0x0  }
0x1e7: {  	[sflag:s4] =	ssyncadd.s32 $0xFFFF8000  }
0x1e8: {  	[tilespmem:s2], [sflag:$0x1] =	stream.linear.gather [hbm4b:s28+s2], $0x8000, $0x38;
	[tilespmem:$0x10000] =	vst v63  }
0x1e9: {  	_ =	swait.ge [sflag:s21], $0x8000  }
0x1ea: {  	[sflag:s21] =	ssyncset.done $0x0  }
0x1eb: {  	[sflag:s21] =	ssyncadd.s32 $0xFFFF8000  }
0x1ec: {  	[hbm4b:s23+s2] =	stream.linear.scatter [tilespmem:s2], [sflag:$0x3], $0x8000, $0x38;
	[tilespmem:$0x10000] =	vst v63  }
0x1ed: {  	_ = 	snop  }
0x1ee: {  	[hbm4b:s24+s2] =	stream.linear.scatter [tilespmem:s2], [sflag:$0x3], $0x8000, $0x38;
	[tilespmem:$0x10000] =	vst v63  }
0x1ef: {  	_ = 	snop  }
0x1f0: {  	[hbm4b:s25+s2] =	stream.linear.scatter [tilespmem:s2], [sflag:$0x3], $0x8000, $0x38;
	[tilespmem:$0x10000] =	vst v63  }
0x1f1: {  	_ = 	snop  }
0x1f2: {  	[hbm4b:s26+s2] =	stream.linear.scatter [tilespmem:s2], [sflag:$0x3], $0x8000, $0x38;
	[tilespmem:$0x10000] =	vst v63  }
0x1f3: {  	_ =	swait.ge [sflag:s3], $0x8000  }
0x1f4: {  	[sflag:s3] =	ssyncset.done $0x0  }
0x1f5: {  	[sflag:s3] =	ssyncadd.s32 $0xFFFF8000  }
0x1f6: {  	_ =	swait.ge [sflag:s3], $0x8000  }
0x1f7: {  	[sflag:s3] =	ssyncset.done $0x0  }
0x1f8: {  	[sflag:s3] =	ssyncadd.s32 $0xFFFF8000  }
0x1f9: {  	_ =	swait.ge [sflag:s3], $0x8000  }
0x1fa: {  	[sflag:s3] =	ssyncset.done $0x0  }
0x1fb: {  	[sflag:s3] =	ssyncadd.s32 $0xFFFF8000  }
0x1fc: {  	_ =	swait.ge [sflag:s3], $0x8000  }
0x1fd: {  	[sflag:s3] =	ssyncset.done $0x0  }
0x1fe: {  	[sflag:s3] =	ssyncadd.s32 $0xFFFF8000  }
0x1ff: {  	[tilespmem:s31], [sflag:$0x2] =	stream.linear.gather [hbm4b:s22+s2], $0x8000, $0x38;
	[tilespmem:$0x10000] =	vst v63  }
0x200: {  	_ =	swait.ge [sflag:s11], $0x8000  }
0x201: {  	[sflag:s11] =	ssyncset.done $0x0  }
0x202: {  	[sflag:s11] =	ssyncadd.s32 $0xFFFF8000  }
0x203: {  	[hbm4b:s17+s2] =	stream.linear.scatter [tilespmem:s31], [sflag:$0x4], $0x8000, $0x38;
	[tilespmem:$0x10000] =	vst v63  }
0x204: {  	_ = 	snop  }
0x205: {  	[hbm4b:s18+s2] =	stream.linear.scatter [tilespmem:s31], [sflag:$0x4], $0x8000, $0x38;
	[tilespmem:$0x10000] =	vst v63  }
0x206: {  	_ = 	snop  }
0x207: {  	[hbm4b:s19+s2] =	stream.linear.scatter [tilespmem:s31], [sflag:$0x4], $0x8000, $0x38;
	[tilespmem:$0x10000] =	vst v63  }
0x208: {  	_ = 	snop  }
0x209: {  	[hbm4b:s20+s2] =	stream.linear.scatter [tilespmem:s31], [sflag:$0x4], $0x8000, $0x38;
	[tilespmem:$0x10000] =	vst v63  }
0x20a: {  	_ =	swait.ge [sflag:s4], $0x8000  }
0x20b: {  	[sflag:s4] =	ssyncset.done $0x0  }
0x20c: {  	[sflag:s4] =	ssyncadd.s32 $0xFFFF8000  }
0x20d: {  	_ =	swait.ge [sflag:s4], $0x8000  }
0x20e: {  	[sflag:s4] =	ssyncset.done $0x0  }
0x20f: {  	[sflag:s4] =	ssyncadd.s32 $0xFFFF8000  }
0x210: {  	_ =	swait.ge [sflag:s4], $0x8000  }
0x211: {  	[sflag:s4] =	ssyncset.done $0x0  }
0x212: {  	[sflag:s4] =	ssyncadd.s32 $0xFFFF8000  }
0x213: {  	_ =	swait.ge [sflag:s4], $0x8000  }
0x214: {  	[sflag:s4] =	ssyncset.done $0x0  }
0x215: {  	[sflag:s4] =	ssyncadd.s32 $0xFFFF8000  }
0x216: {  	[tilespmem:s2], [sflag:$0x1] =	stream.linear.gather [hbm4b:s16+s2], $0x8000, $0x38;
	[tilespmem:$0x10000] =	vst v63  }
0x217: {  	_ =	swait.ge [sflag:s21], $0x8000  }
0x218: {  	[sflag:s21] =	ssyncset.done $0x0  }
0x219: {  	s29 =	rddreg [dreg:$0x15];
	[sflag:s21] =	ssyncadd.s32 $0xFFFF8000  }
0x21a: {  	[hbm4b:s29+s2] =	stream.linear.scatter [tilespmem:s2], [sflag:$0x3], $0x8000, $0x38;
	[tilespmem:$0x10000] =	vst v63  }
0x21b: {  	s30 =	rddreg [dreg:$0x16]  }
0x21c: {  	[hbm4b:s30+s2] =	stream.linear.scatter [tilespmem:s2], [sflag:$0x3], $0x8000, $0x38;
	[tilespmem:$0x10000] =	vst v63  }
0x21d: {  	_ = 	snop  }
0x21e: {  	[hbm4b:s14+s2] =	stream.linear.scatter [tilespmem:s2], [sflag:$0x3], $0x8000, $0x38;
	[tilespmem:$0x10000] =	vst v63  }
0x21f: {  	_ = 	snop  }
0x220: {  	[hbm4b:s15+s2] =	stream.linear.scatter [tilespmem:s2], [sflag:$0x3], $0x8000, $0x38;
	[tilespmem:$0x10000] =	vst v63  }
0x221: {  	_ =	swait.ge [sflag:s3], $0x8000  }
0x222: {  	[sflag:s3] =	ssyncset.done $0x0  }
0x223: {  	[sflag:s3] =	ssyncadd.s32 $0xFFFF8000  }
0x224: {  	_ =	swait.ge [sflag:s3], $0x8000  }
0x225: {  	[sflag:s3] =	ssyncset.done $0x0  }
0x226: {  	[sflag:s3] =	ssyncadd.s32 $0xFFFF8000  }
0x227: {  	_ =	swait.ge [sflag:s3], $0x8000  }
0x228: {  	[sflag:s3] =	ssyncset.done $0x0  }
0x229: {  	[sflag:s3] =	ssyncadd.s32 $0xFFFF8000  }
0x22a: {  	_ =	swait.ge [sflag:s3], $0x8000  }
0x22b: {  	[sflag:s3] =	ssyncset.done $0x0  }
0x22c: {  	[sflag:s3] =	ssyncadd.s32 $0xFFFF8000  }
0x22d: {  	[tilespmem:s31], [sflag:$0x2] =	stream.linear.gather [hbm4b:s9+s2], $0x8000, $0x38;
	[tilespmem:$0x10000] =	vst v63  }
0x22e: {  	_ =	swait.ge [sflag:s11], $0x8000  }
0x22f: {  	[sflag:s11] =	ssyncset.done $0x0  }
0x230: {  	[sflag:s11] =	ssyncadd.s32 $0xFFFF8000  }
0x231: {  	[hbm4b:s5+s2] =	stream.linear.scatter [tilespmem:s31], [sflag:$0x4], $0x8000, $0x38;
	[tilespmem:$0x10000] =	vst v63  }
0x232: {  	_ = 	snop  }
0x233: {  	[hbm4b:s7+s2] =	stream.linear.scatter [tilespmem:s31], [sflag:$0x4], $0x8000, $0x38;
	[tilespmem:$0x10000] =	vst v63  }
0x234: {  	_ = 	snop  }
0x235: {  	[hbm4b:s13+s2] =	stream.linear.scatter [tilespmem:s31], [sflag:$0x4], $0x8000, $0x38;
	[tilespmem:$0x10000] =	vst v63  }
0x236: {  	_ = 	snop  }
0x237: {  	[hbm4b:s8+s2] =	stream.linear.scatter [tilespmem:s31], [sflag:$0x4], $0x8000, $0x38;
	[tilespmem:$0x10000] =	vst v63  }
0x238: {  	_ =	swait.ge [sflag:s4], $0x8000  }
0x239: {  	[sflag:s4] =	ssyncset.done $0x0  }
0x23a: {  	[sflag:s4] =	ssyncadd.s32 $0xFFFF8000  }
0x23b: {  	_ =	swait.ge [sflag:s4], $0x8000  }
0x23c: {  	[sflag:s4] =	ssyncset.done $0x0  }
0x23d: {  	[sflag:s4] =	ssyncadd.s32 $0xFFFF8000  }
0x23e: {  	_ =	swait.ge [sflag:s4], $0x8000  }
0x23f: {  	[sflag:s4] =	ssyncset.done $0x0  }
0x240: {  	[sflag:s4] =	ssyncadd.s32 $0xFFFF8000  }
0x241: {  	_ =	swait.ge [sflag:s4], $0x8000  }
0x242: {  	[sflag:s4] =	ssyncset.done $0x0  }
0x243: {  	[sflag:s4] =	ssyncadd.s32 $0xFFFF8000  }
0x244: {  	_ =	swait.ge [sflag:s3], $0x8000  }
0x245: {  	[sflag:s3] =	ssyncset.done $0x0  }
0x246: {  	[sflag:s3] =	ssyncadd.s32 $0xFFFF8000  }
0x247: {  	_ =	swait.ge [sflag:s3], $0x8000  }
0x248: {  	[sflag:s3] =	ssyncset.done $0x0  }
0x249: {  	[sflag:s3] =	ssyncadd.s32 $0xFFFF8000  }
0x24a: {  	_ =	swait.ge [sflag:s3], $0x8000  }
0x24b: {  	[sflag:s3] =	ssyncset.done $0x0  }
0x24c: {  	[sflag:s3] =	ssyncadd.s32 $0xFFFF8000  }
0x24d: {  	_ =	swait.ge [sflag:s3], $0x8000  }
0x24e: {  	[sflag:s3] =	ssyncset.done $0x0  }
0x24f: {  	[sflag:s3] =	ssyncadd.s32 $0xFFFF8000  }
0x250: {  	_ =	sfence.sel $0x180000  }
0x251: {  	[bflag:$0x0] =	sbarrier.arrive $0xFFFF  }
0x252: {  	_ =	strace $0x90000047  }
0x253: {  	s31 =	stileid.u32;
	[bflag:$0x2] =	sbarrier.arrive $0xFFFF  }
0x254: {  	p0 =	sne.s32 s31, $0x0;
	s0 =	rddreg [dreg:$0x2]  }
0x255: {  	s0 =	sadd.s32 @!p0 $0x100000, s0  }
0x256: {  	[sflag:s0] =	ssyncadd.tile.s32 @!p0 $0x1;
	_ =	shalt  }
.Lfunc_end2:
_tile_overlayer_lowered:
.L_overlay_start_2:
0x257: {  	(tag) =	ssettag $0x2  }
0x258: {  	s0 =	rddreg [dreg:$0x0];
	s2 =	stileid.u32  }
0x259: {  	s1 =	rddreg [dreg:$0x1];
	p0 =	sne.s32 s2, $0x0  }
0x25a: {  	s3 =	rddreg [dreg:$0x2];
	[bflag:$0x3] =	sbarrier.arrive $0xFFFF;
	s2 =	simm.s32 @!p0 $0x1C05  }
0x25b: {  	[timem:s3], [sflag:s2] =	dma.local @!p0 [hbm:s0], s1  }
0x25c: {  	s0 =	simm.s32 @!p0 $0x5  }
0x25d: {  	_ =	swait.ge @!p0 [sflag:s0], s1  }
0x25e: {  	s1 =	ssub.s32 @!p0 $0x0, s1;
	[sflag:s0] =	ssyncset.done @!p0 $0x0  }
0x25f: {  	[sflag:s0] =	ssyncadd.s32 @!p0 s1  }
0x260: {  	[bflag:$0x3] =	sbarrier.arrive $0xFFFF  }
0x261: {  	_ =	shalt  }

</sc_bundles>
